<compile_context>
chip_gen: v7x
topology: tpu7x:2x2x1
jax: 0.10.2.dev20260603
libtpu: 0.0.44.dev20260713+nightly
codegen_flags: <defaults>
</compile_context>

<pallas_src>
import functools

import jax
import jax.numpy as jnp
from jax import lax
from jax.experimental import pallas as pl
from jax.experimental.pallas import tpu as pltpu
from jax.experimental.pallas import tpu_sc as plsc

_TM = 128


def _router_body(x_ref, w_ref, b_ref, logits_ref, pos_ref, unit_start_ref,
                 units_per_ref):
    t, e = logits_ref.shape
    nu = 0
    ck = 256
    logits = jnp.dot(x_ref[...], w_ref[...],
                     preferred_element_type=jnp.float32) + b_ref[...]
    logits_ref[...] = logits
    m = jnp.max(logits, axis=1, keepdims=True)
    col = lax.broadcasted_iota(jnp.int32, (t, e), 1)
    eid = jnp.min(jnp.where(logits == m, col, e), axis=1, keepdims=True)
    oh = (col == eid).astype(jnp.float32)
    tri = (lax.broadcasted_iota(jnp.int32, (ck, ck), 1) <=
           lax.broadcasted_iota(jnp.int32, (ck, ck), 0)).astype(jnp.float32)
    carry = jnp.zeros((1, e), jnp.float32)
    chunks = []
    for i in range(t // ck):
        c = jnp.dot(tri, oh[i * ck:(i + 1) * ck],
                    preferred_element_type=jnp.float32) + carry
        chunks.append(c)
        carry = c[ck - 1:ck, :]
    cum = jnp.concatenate(chunks, axis=0)
    counts = carry
    rank = jnp.sum((cum - oh) * oh, axis=1, keepdims=True)
    units_per = jnp.floor((counts + (_TM - 1)) * (1.0 / _TM))
    triu = (lax.broadcasted_iota(jnp.int32, (e, e), 0) <=
            lax.broadcasted_iota(jnp.int32, (e, e), 1)).astype(jnp.float32)
    cum_units = jnp.dot(units_per, triu, preferred_element_type=jnp.float32)
    unit_start = cum_units - units_per
    pos = (jnp.sum(oh * unit_start, axis=1, keepdims=True) * _TM + rank)
    pos_ref[...] = pos.astype(jnp.int32)
    del nu
    unit_start_ref[...] = unit_start.astype(jnp.int32)
    units_per_ref[...] = units_per.astype(jnp.int32)


def _moe_body(start_ref, nunit_ref, xs_ref, w1_ref, b1_ref, w2_ref, b2_ref,
              sw1_ref, sb1_ref, sw2_ref, sb2_ref, ys_ref):
    e = pl.program_id(0)
    s0 = start_ref[e]
    bm = 2 * _TM

    def unit(j, carry):
        blk = xs_ref[pl.ds(s0 * _TM + j * bm, bm), :]
        h = jnp.maximum(
            jnp.dot(blk, w1_ref[0], preferred_element_type=jnp.float32)
            + b1_ref[0], 0.0)
        y = jnp.dot(h, w2_ref[0], preferred_element_type=jnp.float32) + b2_ref[0]
        for s in range(sb1_ref.shape[0]):
            hs = jnp.maximum(
                jnp.dot(blk, sw1_ref[s], preferred_element_type=jnp.float32)
                + sb1_ref[s], 0.0)
            y = y + jnp.dot(hs, sw2_ref[s],
                            preferred_element_type=jnp.float32) + sb2_ref[s]
        ys_ref[pl.ds(s0 * _TM + j * bm, bm), :] = y
        return carry

    lax.fori_loop(0, (nunit_ref[e] + 1) // 2, unit, 0)


def _sc_scatter_rows(rows, idx2d, out_rows):
    t, d = rows.shape
    nw, b_per_w = idx2d.shape
    mesh = plsc.VectorSubcoreMesh(core_axis_name="c", subcore_axis_name="s")

    @functools.partial(
        pl.kernel, mesh=mesh,
        out_type=jax.ShapeDtypeStruct((out_rows, d), rows.dtype),
        scratch_types=[pltpu.VMEM((1, b_per_w), jnp.int32),
                       pltpu.VMEM((b_per_w, d), rows.dtype),
                       pltpu.SemaphoreType.DMA])
    def k(rows_hbm, idx_hbm, out_hbm, idx_v, rows_v, sem):
        wid = lax.axis_index("s") * 2 + lax.axis_index("c")
        pltpu.sync_copy(idx_hbm.at[pl.ds(wid, 1)], idx_v)
        pltpu.sync_copy(rows_hbm.at[pl.ds(wid * b_per_w, b_per_w)], rows_v)
        pltpu.async_copy(rows_v, out_hbm.at[idx_v.at[0]], sem).wait()

    return k(rows, idx2d)


def _sc_gather(table, idx):
    n_rows = idx.shape[0]
    d = table.shape[1]
    nw = 32
    b_per_w = n_rows // nw
    mesh = plsc.VectorSubcoreMesh(core_axis_name="c", subcore_axis_name="s")

    @functools.partial(
        pl.kernel, mesh=mesh,
        out_type=jax.ShapeDtypeStruct((n_rows, d), table.dtype),
        scratch_types=[pltpu.VMEM((b_per_w,), jnp.int32),
                       pltpu.VMEM((b_per_w, d), table.dtype),
                       pltpu.SemaphoreType.DMA])
    def k(table_hbm, idx_hbm, out_hbm, idx_v, rows_v, sem):
        wid = lax.axis_index("s") * 2 + lax.axis_index("c")
        base = wid * b_per_w
        pltpu.sync_copy(idx_hbm.at[pl.ds(base, b_per_w)], idx_v)
        pltpu.async_copy(table_hbm.at[idx_v], rows_v, sem).wait()
        pltpu.sync_copy(rows_v, out_hbm.at[pl.ds(base, b_per_w)])

    return k(table, idx)


def kernel(x, router_w, router_b, w1, b1, w2, b2, sw1, sb1, sw2, sb2):
    bsz, seq, hdim = x.shape
    flat = x.reshape(-1, hdim)
    t = flat.shape[0]
    n_exp = w1.shape[0]
    n_units = (t // _TM) + n_exp
    p = n_units * _TM

    logits, pos2, unit_start, units_per = pl.pallas_call(
        _router_body,
        grid=(1,),
        in_specs=[pl.BlockSpec((t, hdim), lambda i: (0, 0)),
                  pl.BlockSpec((hdim, n_exp), lambda i: (0, 0)),
                  pl.BlockSpec((1, n_exp), lambda i: (0, 0))],
        out_specs=[pl.BlockSpec((t, n_exp), lambda i: (0, 0)),
                   pl.BlockSpec((t, 1), lambda i: (0, 0)),
                   pl.BlockSpec((1, n_exp), lambda i: (0, 0)),
                   pl.BlockSpec((1, n_exp), lambda i: (0, 0))],
        out_shape=[jax.ShapeDtypeStruct((t, n_exp), jnp.float32),
                   jax.ShapeDtypeStruct((t, 1), jnp.int32),
                   jax.ShapeDtypeStruct((1, n_exp), jnp.int32),
                   jax.ShapeDtypeStruct((1, n_exp), jnp.int32)],
    )(flat, router_w, router_b.reshape(1, n_exp))
    pos = pos2.reshape(t)

    xs = _sc_scatter_rows(flat, pos.reshape(32, t // 32), p)

    grid_spec = pltpu.PrefetchScalarGridSpec(
        num_scalar_prefetch=2,
        grid=(n_exp,),
        in_specs=[pl.BlockSpec((p, hdim), lambda e, s, n: (0, 0)),
                  pl.BlockSpec((1, hdim, hdim), lambda e, s, n: (e, 0, 0)),
                  pl.BlockSpec((1, 1, hdim), lambda e, s, n: (e, 0, 0)),
                  pl.BlockSpec((1, hdim, hdim), lambda e, s, n: (e, 0, 0)),
                  pl.BlockSpec((1, 1, hdim), lambda e, s, n: (e, 0, 0)),
                  pl.BlockSpec(sw1.shape, lambda e, s, n: (0, 0, 0)),
                  pl.BlockSpec((sb1.shape[0], 1, hdim), lambda e, s, n: (0, 0, 0)),
                  pl.BlockSpec(sw2.shape, lambda e, s, n: (0, 0, 0)),
                  pl.BlockSpec((sb2.shape[0], 1, hdim), lambda e, s, n: (0, 0, 0))],
        out_specs=pl.BlockSpec((p, hdim), lambda e, s, n: (0, 0)),
    )
    nsh = sw1.shape[0]
    ys = pl.pallas_call(
        _moe_body, grid_spec=grid_spec,
        out_shape=jax.ShapeDtypeStruct((p, hdim), jnp.float32),
    )(unit_start.reshape(n_exp), units_per.reshape(n_exp),
      xs, w1, b1.reshape(n_exp, 1, hdim), w2, b2.reshape(n_exp, 1, hdim),
      sw1, sb1.reshape(nsh, 1, hdim), sw2, sb2.reshape(nsh, 1, hdim))

    out = _sc_gather(ys, pos).reshape(bsz, seq, hdim)
    return (out, logits)

# --- scband reference (transcript-rebuilt; emitter-appended) ---
"""Pipeline reference for scband-deep-seek-mo-e-41171556500147 (READ-ONLY COPY).

The authoritative reference and input builder live on the scoring server;
editing this copy changes nothing except your own understanding.
"""

import jax, jax.numpy as jnp
import numpy as np

B, S, H = 1, 2048, 768
E, K, NSH = 16, 1, 2


def setup_inputs(seed: int = 0) -> dict:
    key = jax.random.key(seed)
    ks = jax.random.split(key, 8)
    x = jax.random.normal(ks[0], (B, S, H), dtype=jnp.float32)
    router_w = jax.random.normal(ks[1], (H, E), dtype=jnp.float32) * 0.02
    router_b = jnp.zeros((E,), dtype=jnp.float32)
    w1 = jax.random.normal(ks[2], (E, H, H), dtype=jnp.float32) * 0.02
    b1 = jnp.zeros((E, H), dtype=jnp.float32)
    w2 = jax.random.normal(ks[3], (E, H, H), dtype=jnp.float32) * 0.02
    b2 = jnp.zeros((E, H), dtype=jnp.float32)
    sw1 = jax.random.normal(ks[4], (NSH, H, H), dtype=jnp.float32) * 0.02
    sb1 = jnp.zeros((NSH, H), dtype=jnp.float32)
    sw2 = jax.random.normal(ks[5], (NSH, H, H), dtype=jnp.float32) * 0.02
    sb2 = jnp.zeros((NSH, H), dtype=jnp.float32)
    return {"x": x, "router_w": router_w, "router_b": router_b,
            "w1": w1, "b1": b1, "w2": w2, "b2": b2,
            "sw1": sw1, "sb1": sb1, "sw2": sw2, "sb2": sb2}


def _expert_all(flat, w1, b1, w2, b2):
    # flat: [T, H]; w1: [E, H, H] -> per-expert 2-layer MLP (ReLU), out [E, T, H]
    h1 = jax.nn.relu(jnp.einsum('th,ehd->etd', flat, w1) + b1[:, None, :])
    return jnp.einsum('etd,edh->eth', h1, w2) + b2[:, None, :]


def reference(x, router_w, router_b, w1, b1, w2, b2, sw1, sb1, sw2, sb2):
    b, s, h = x.shape
    flat = x.reshape(-1, h)
    T = flat.shape[0]
    # shared experts: applied to every token, summed
    shared_all = _expert_all(flat, sw1, sb1, sw2, sb2)  # [NSH, T, H]
    shared_out = shared_all.sum(axis=0)  # [T, H]
    # routed sparse MoE
    router_logits = flat @ router_w + router_b  # [T, E]
    probs = jax.nn.softmax(router_logits, axis=-1)
    topv, topi = jax.lax.top_k(probs, K)  # [T, K]
    weights = topv / jnp.sum(topv, axis=-1, keepdims=True)  # renormalize top-k gates
    n_exp = w1.shape[0]
    gates = jnp.zeros((T, n_exp), dtype=flat.dtype).at[jnp.arange(T)[:, None], topi].add(weights)
    expert_out = _expert_all(flat, w1, b1, w2, b2)  # [E, T, H]
    sparse_out = jnp.einsum('te,eth->th', gates, expert_out)  # [T, H]
    out = (shared_out + sparse_out).reshape(b, s, h)
    return (out, router_logits)

if __name__ == "__main__":
    import jax
    _d = setup_inputs()
    print(jax.jit(kernel)(*tuple(_d.values())))

</pallas_src>

<mosaic_0001>
#map = affine_map<(d0, d1) -> (0, 0)>
module attributes {stable_mosaic.version = 14 : i64} {
  func.func @k(%arg0: i32, %arg1: i32, %arg2: memref<2048x768xf32, #tpu.memory_space<hbm>>, %arg3: memref<32x64xi32, #tpu.memory_space<hbm>>, %arg4: memref<4096x768xf32, #tpu.memory_space<hbm>>, %arg5: memref<1x64xi32, #tpu.memory_space<vmem>>, %arg6: memref<64x768xf32, #tpu.memory_space<vmem>>, %arg7: memref<!tpu.dma_semaphore, #tpu.memory_space<semaphore_mem>>) attributes {dimension_semantics = [#tpu.dimension_semantics<core_parallel>, #tpu.dimension_semantics<subcore_parallel>], iteration_bounds = array<i64: 2, 16>, scalar_prefetch = 0 : i64, scratch_operands = 3 : i64, tpu.core_type = #tpu.core_type<sc_vector_subcore>, window_params = [{transform_indices = #map}, {transform_indices = #map}, {transform_indices = #map}]} {
    %mul3A = arith.constant 2 : i32
    %mul3A_0 = arith.muli %arg1, %mul3A : i32
    %add3A = arith.addi %mul3A_0, %arg0 : i32
    "tpu.region"() ({
      %run_scoped3A = tpu.sem_alloc : memref<!tpu.dma_semaphore, #tpu.memory_space<semaphore_mem>>
      %dma_start3A_15 = arith.constant 0 : i32
      %dma_start3A_16 = tpu.memref_slice %arg3[%add3A, %dma_start3A_15] : memref<32x64xi32, #tpu.memory_space<hbm>> -> memref<1x64xi32, #tpu.memory_space<hbm>>
      %dma_start3A_17 = arith.constant 0 : i32
      %dma_start3A_18 = tpu.memref_slice %arg3[%add3A, %dma_start3A_17] : memref<32x64xi32, #tpu.memory_space<hbm>> -> memref<1x64xi32, #tpu.memory_space<hbm>>
      tpu.enqueue_dma source(%dma_start3A_18 : memref<1x64xi32, #tpu.memory_space<hbm>>) target(%arg5 : memref<1x64xi32, #tpu.memory_space<vmem>>) target_semaphore(%run_scoped3A : memref<!tpu.dma_semaphore, #tpu.memory_space<semaphore_mem>>)
      %dma_wait3A_19 = arith.constant 0 : i32
      %dma_wait3A_20 = tpu.memref_slice %arg3[%add3A, %dma_wait3A_19] : memref<32x64xi32, #tpu.memory_space<hbm>> -> memref<1x64xi32, #tpu.memory_space<hbm>>
      %dma_wait3A_21 = arith.constant 0 : i32
      %dma_wait3A_22 = tpu.memref_slice %arg3[%add3A, %dma_wait3A_21] : memref<32x64xi32, #tpu.memory_space<hbm>> -> memref<1x64xi32, #tpu.memory_space<hbm>>
      tpu.wait_dma2 semaphore(%run_scoped3A : memref<!tpu.dma_semaphore, #tpu.memory_space<semaphore_mem>>) src(%dma_wait3A_22 : memref<1x64xi32, #tpu.memory_space<hbm>>) dst(%arg5 : memref<1x64xi32, #tpu.memory_space<vmem>>)
      tpu.yield
    }) : () -> ()
    %mul3A_1 = arith.constant 64 : i32
    %mul3A_2 = arith.muli %add3A, %mul3A_1 : i32
    "tpu.region"() ({
      %run_scoped3A = tpu.sem_alloc : memref<!tpu.dma_semaphore, #tpu.memory_space<semaphore_mem>>
      %dma_start3A_15 = arith.constant 0 : i32
      %dma_start3A_16 = tpu.memref_slice %arg2[%mul3A_2, %dma_start3A_15] : memref<2048x768xf32, #tpu.memory_space<hbm>> -> memref<64x768xf32, #tpu.memory_space<hbm>>
      %dma_start3A_17 = arith.constant 0 : i32
      %dma_start3A_18 = tpu.memref_slice %arg2[%mul3A_2, %dma_start3A_17] : memref<2048x768xf32, #tpu.memory_space<hbm>> -> memref<64x768xf32, #tpu.memory_space<hbm>>
      tpu.enqueue_dma source(%dma_start3A_18 : memref<64x768xf32, #tpu.memory_space<hbm>>) target(%arg6 : memref<64x768xf32, #tpu.memory_space<vmem>>) target_semaphore(%run_scoped3A : memref<!tpu.dma_semaphore, #tpu.memory_space<semaphore_mem>>)
      %dma_wait3A_19 = arith.constant 0 : i32
      %dma_wait3A_20 = tpu.memref_slice %arg2[%mul3A_2, %dma_wait3A_19] : memref<2048x768xf32, #tpu.memory_space<hbm>> -> memref<64x768xf32, #tpu.memory_space<hbm>>
      %dma_wait3A_21 = arith.constant 0 : i32
      %dma_wait3A_22 = tpu.memref_slice %arg2[%mul3A_2, %dma_wait3A_21] : memref<2048x768xf32, #tpu.memory_space<hbm>> -> memref<64x768xf32, #tpu.memory_space<hbm>>
      tpu.wait_dma2 semaphore(%run_scoped3A : memref<!tpu.dma_semaphore, #tpu.memory_space<semaphore_mem>>) src(%dma_wait3A_22 : memref<64x768xf32, #tpu.memory_space<hbm>>) dst(%arg6 : memref<64x768xf32, #tpu.memory_space<vmem>>)
      tpu.yield
    }) : () -> ()
    %dma_start3A = arith.constant 0 : i32
    %dma_start3A_3 = arith.constant 0 : i32
    %dma_start3A_4 = tpu.memref_slice %arg5[%dma_start3A, %dma_start3A_3] : memref<1x64xi32, #tpu.memory_space<vmem>> -> memref<1x64xi32, #tpu.memory_space<vmem>>
    %dma_start3A_5 = tpu.memref_squeeze %dma_start3A_4 : memref<1x64xi32, #tpu.memory_space<vmem>> -> memref<64xi32, #tpu.memory_space<vmem>>
    %dma_start3A_6 = arith.constant 0 : i32
    %dma_start3A_7 = arith.constant 0 : i32
    %dma_start3A_8 = tpu.memref_slice %arg4[%dma_start3A_6, %dma_start3A_7] : memref<4096x768xf32, #tpu.memory_space<hbm>> -> memref<4096x768xf32, #tpu.memory_space<hbm>>
    tpu.enqueue_indirect_dma source(%arg6 : memref<64x768xf32, #tpu.memory_space<vmem>>) target(%dma_start3A_8 : memref<4096x768xf32, #tpu.memory_space<hbm>>) offsets(%dma_start3A_5 : memref<64xi32, #tpu.memory_space<vmem>>) semaphore(%arg7 : memref<!tpu.dma_semaphore, #tpu.memory_space<semaphore_mem>>)
    %dma_wait3A = arith.constant 0 : i32
    %dma_wait3A_9 = arith.constant 0 : i32
    %dma_wait3A_10 = tpu.memref_slice %arg5[%dma_wait3A, %dma_wait3A_9] : memref<1x64xi32, #tpu.memory_space<vmem>> -> memref<1x64xi32, #tpu.memory_space<vmem>>
    %dma_wait3A_11 = tpu.memref_squeeze %dma_wait3A_10 : memref<1x64xi32, #tpu.memory_space<vmem>> -> memref<64xi32, #tpu.memory_space<vmem>>
    %dma_wait3A_12 = arith.constant 0 : i32
    %dma_wait3A_13 = arith.constant 0 : i32
    %dma_wait3A_14 = tpu.memref_slice %arg4[%dma_wait3A_12, %dma_wait3A_13] : memref<4096x768xf32, #tpu.memory_space<hbm>> -> memref<4096x768xf32, #tpu.memory_space<hbm>>
    tpu.wait_indirect_dma semaphore(%arg7 : memref<!tpu.dma_semaphore, #tpu.memory_space<semaphore_mem>>) src(%arg6 : memref<64x768xf32, #tpu.memory_space<vmem>>) dst(%dma_wait3A_14 : memref<4096x768xf32, #tpu.memory_space<hbm>>)
    return
  }
}

#map = affine_map<(d0, d1) -> (0, 0)>
#map1 = affine_map<(d0, d1) -> (0)>
module attributes {stable_mosaic.version = 14 : i64} {
  func.func @k(%arg0: i32, %arg1: i32, %arg2: memref<4096x768xf32, #tpu.memory_space<hbm>>, %arg3: memref<2048xi32, #tpu.memory_space<hbm>>, %arg4: memref<2048x768xf32, #tpu.memory_space<hbm>>, %arg5: memref<64xi32, #tpu.memory_space<vmem>>, %arg6: memref<64x768xf32, #tpu.memory_space<vmem>>, %arg7: memref<!tpu.dma_semaphore, #tpu.memory_space<semaphore_mem>>) attributes {dimension_semantics = [#tpu.dimension_semantics<core_parallel>, #tpu.dimension_semantics<subcore_parallel>], iteration_bounds = array<i64: 2, 16>, scalar_prefetch = 0 : i64, scratch_operands = 3 : i64, tpu.core_type = #tpu.core_type<sc_vector_subcore>, window_params = [{transform_indices = #map}, {transform_indices = #map1}, {transform_indices = #map}]} {
    %mul3A = arith.constant 2 : i32
    %mul3A_0 = arith.muli %arg1, %mul3A : i32
    %add3A = arith.addi %mul3A_0, %arg0 : i32
    %mul3A_1 = arith.constant 64 : i32
    %mul3A_2 = arith.muli %add3A, %mul3A_1 : i32
    "tpu.region"() ({
      %run_scoped3A = tpu.sem_alloc : memref<!tpu.dma_semaphore, #tpu.memory_space<semaphore_mem>>
      %dma_start3A_7 = tpu.memref_slice %arg3[%mul3A_2] : memref<2048xi32, #tpu.memory_space<hbm>> -> memref<64xi32, #tpu.memory_space<hbm>>
      %dma_start3A_8 = tpu.memref_slice %arg3[%mul3A_2] : memref<2048xi32, #tpu.memory_space<hbm>> -> memref<64xi32, #tpu.memory_space<hbm>>
      tpu.enqueue_dma source(%dma_start3A_8 : memref<64xi32, #tpu.memory_space<hbm>>) target(%arg5 : memref<64xi32, #tpu.memory_space<vmem>>) target_semaphore(%run_scoped3A : memref<!tpu.dma_semaphore, #tpu.memory_space<semaphore_mem>>)
      %dma_wait3A_9 = tpu.memref_slice %arg3[%mul3A_2] : memref<2048xi32, #tpu.memory_space<hbm>> -> memref<64xi32, #tpu.memory_space<hbm>>
      %dma_wait3A_10 = tpu.memref_slice %arg3[%mul3A_2] : memref<2048xi32, #tpu.memory_space<hbm>> -> memref<64xi32, #tpu.memory_space<hbm>>
      tpu.wait_dma2 semaphore(%run_scoped3A : memref<!tpu.dma_semaphore, #tpu.memory_space<semaphore_mem>>) src(%dma_wait3A_10 : memref<64xi32, #tpu.memory_space<hbm>>) dst(%arg5 : memref<64xi32, #tpu.memory_space<vmem>>)
      tpu.yield
    }) : () -> ()
    %dma_start3A = arith.constant 0 : i32
    %dma_start3A_3 = arith.constant 0 : i32
    %dma_start3A_4 = tpu.memref_slice %arg2[%dma_start3A, %dma_start3A_3] : memref<4096x768xf32, #tpu.memory_space<hbm>> -> memref<4096x768xf32, #tpu.memory_space<hbm>>
    tpu.enqueue_indirect_dma source(%dma_start3A_4 : memref<4096x768xf32, #tpu.memory_space<hbm>>) target(%arg6 : memref<64x768xf32, #tpu.memory_space<vmem>>) offsets(%arg5 : memref<64xi32, #tpu.memory_space<vmem>>) semaphore(%arg7 : memref<!tpu.dma_semaphore, #tpu.memory_space<semaphore_mem>>)
    %dma_wait3A = arith.constant 0 : i32
    %dma_wait3A_5 = arith.constant 0 : i32
    %dma_wait3A_6 = tpu.memref_slice %arg2[%dma_wait3A, %dma_wait3A_5] : memref<4096x768xf32, #tpu.memory_space<hbm>> -> memref<4096x768xf32, #tpu.memory_space<hbm>>
    tpu.wait_indirect_dma semaphore(%arg7 : memref<!tpu.dma_semaphore, #tpu.memory_space<semaphore_mem>>) src(%dma_wait3A_6 : memref<4096x768xf32, #tpu.memory_space<hbm>>) dst(%arg6 : memref<64x768xf32, #tpu.memory_space<vmem>>)
    "tpu.region"() ({
      %run_scoped3A = tpu.sem_alloc : memref<!tpu.dma_semaphore, #tpu.memory_space<semaphore_mem>>
      %dma_start3A_7 = arith.constant 0 : i32
      %dma_start3A_8 = tpu.memref_slice %arg4[%mul3A_2, %dma_start3A_7] : memref<2048x768xf32, #tpu.memory_space<hbm>> -> memref<64x768xf32, #tpu.memory_space<hbm>>
      %dma_start3A_9 = arith.constant 0 : i32
      %dma_start3A_10 = tpu.memref_slice %arg4[%mul3A_2, %dma_start3A_9] : memref<2048x768xf32, #tpu.memory_space<hbm>> -> memref<64x768xf32, #tpu.memory_space<hbm>>
      tpu.enqueue_dma source(%arg6 : memref<64x768xf32, #tpu.memory_space<vmem>>) target(%dma_start3A_10 : memref<64x768xf32, #tpu.memory_space<hbm>>) target_semaphore(%run_scoped3A : memref<!tpu.dma_semaphore, #tpu.memory_space<semaphore_mem>>)
      %dma_wait3A_11 = arith.constant 0 : i32
      %dma_wait3A_12 = tpu.memref_slice %arg4[%mul3A_2, %dma_wait3A_11] : memref<2048x768xf32, #tpu.memory_space<hbm>> -> memref<64x768xf32, #tpu.memory_space<hbm>>
      %dma_wait3A_13 = arith.constant 0 : i32
      %dma_wait3A_14 = tpu.memref_slice %arg4[%mul3A_2, %dma_wait3A_13] : memref<2048x768xf32, #tpu.memory_space<hbm>> -> memref<64x768xf32, #tpu.memory_space<hbm>>
      tpu.wait_dma2 semaphore(%run_scoped3A : memref<!tpu.dma_semaphore, #tpu.memory_space<semaphore_mem>>) src(%arg6 : memref<64x768xf32, #tpu.memory_space<vmem>>) dst(%dma_wait3A_14 : memref<64x768xf32, #tpu.memory_space<hbm>>)
      tpu.yield
    }) : () -> ()
    return
  }
}

module attributes {stable_mosaic.version = 14 : i64} {
  func.func @_router_body(%arg0: i32, %arg1: memref<2048x768xf32, #tpu.memory_space<vmem>>, %arg2: memref<768x16xf32, #tpu.memory_space<vmem>>, %arg3: memref<1x16xf32, #tpu.memory_space<vmem>>, %arg4: memref<2048x16xf32, #tpu.memory_space<vmem>>, %arg5: memref<2048x1xi32, #tpu.memory_space<vmem>>, %arg6: memref<1x16xi32, #tpu.memory_space<vmem>>, %arg7: memref<1x16xi32, #tpu.memory_space<vmem>>) attributes {dimension_semantics = [#tpu.dimension_semantics<arbitrary>], iteration_bounds = array<i64: 1>, scalar_prefetch = 0 : i64, scratch_operands = 0 : i64, tpu.core_type = #tpu.core_type<tc>, window_params = [{pipeline_mode = #tpu.pipeline_mode<synchronous>, transform_indices = @transform_0, window_bounds = array<i64: 2048, 768>}, {pipeline_mode = #tpu.pipeline_mode<synchronous>, transform_indices = @transform_1, window_bounds = array<i64: 768, 16>}, {pipeline_mode = #tpu.pipeline_mode<synchronous>, transform_indices = @transform_2, window_bounds = array<i64: 1, 16>}, {pipeline_mode = #tpu.pipeline_mode<synchronous>, transform_indices = @transform_3, window_bounds = array<i64: 2048, 16>}, {pipeline_mode = #tpu.pipeline_mode<synchronous>, transform_indices = @transform_4, window_bounds = array<i64: 2048, 1>}, {pipeline_mode = #tpu.pipeline_mode<synchronous>, transform_indices = @transform_5, window_bounds = array<i64: 1, 16>}, {pipeline_mode = #tpu.pipeline_mode<synchronous>, transform_indices = @transform_6, window_bounds = array<i64: 1, 16>}]} {
    %get3A = arith.constant 0 : index
    %get3A_0 = arith.constant 0 : index
    %get3A_1 = vector.load %arg1[%get3A, %get3A_0] : memref<2048x768xf32, #tpu.memory_space<vmem>>, vector<2048x768xf32>
    %get3A_2 = arith.constant 0 : index
    %get3A_3 = arith.constant 0 : index
    %get3A_4 = vector.load %arg2[%get3A_2, %get3A_3] : memref<768x16xf32, #tpu.memory_space<vmem>>, vector<768x16xf32>
    %dot_general3A = arith.constant dense<0.000000e+00> : vector<2048x16xf32>
    %dot_general3A_5 = tpu.matmul %get3A_1, %get3A_4, %dot_general3A {dimension_numbers = #tpu.dot_dimension_numbers<[1], [0], [0], [1], [0, 0, 1, 1], [], []>, transpose_lhs_hint = false} : vector<2048x768xf32>, vector<768x16xf32>, vector<2048x16xf32> -> vector<2048x16xf32>
    %get3A_6 = arith.constant 0 : index
    %get3A_7 = arith.constant 0 : index
    %get3A_8 = vector.load %arg3[%get3A_6, %get3A_7] : memref<1x16xf32, #tpu.memory_space<vmem>>, vector<1x16xf32>
    %add3A = vector.broadcast %get3A_8 : vector<1x16xf32> to vector<2048x16xf32>
    %add3A_9 = arith.addf %dot_general3A_5, %add3A : vector<2048x16xf32>
    %swap3A = arith.constant 0 : index
    %swap3A_10 = arith.constant 0 : index
    %swap3A_11 = vector.load %arg4[%swap3A, %swap3A_10] : memref<2048x16xf32, #tpu.memory_space<vmem>>, vector<2048x16xf32>
    tpu.vector_store %arg4[%swap3A, %swap3A_10], %add3A_9 {strides = array<i32>} : memref<2048x16xf32, #tpu.memory_space<vmem>>, vector<2048x16xf32>,
    %reduce_max3A = arith.constant dense<0xFF800000> : vector<2048xf32>
    %reduce_max3A_12 = vector.multi_reduction <maximumf>, %add3A_9, %reduce_max3A [1] : vector<2048x16xf32> to vector<2048xf32>
    %broadcast_in_dim3A = vector.shape_cast %reduce_max3A_12 : vector<2048xf32> to vector<2048x1xf32>
    %iota3A = tpu.iota {dimensions = array<i32: 1>} : vector<2048x16xi32>
    %eq3A = vector.broadcast %broadcast_in_dim3A : vector<2048x1xf32> to vector<2048x16xf32>
    %eq3A_13 = arith.cmpf oeq, %add3A_9, %eq3A : vector<2048x16xf32>
    %jit3A = arith.constant 16 : i32
    %broadcast_in_dim3A_14 = vector.broadcast %jit3A : i32 to vector<2048x16xi32>
    %select_n3A = arith.select %eq3A_13, %iota3A, %broadcast_in_dim3A_14 : vector<2048x16xi1>, vector<2048x16xi32>
    %reduce_min3A = arith.constant dense<2147483647> : vector<2048xi32>
    %reduce_min3A_15 = vector.multi_reduction <minsi>, %select_n3A, %reduce_min3A [1] : vector<2048x16xi32> to vector<2048xi32>
    %broadcast_in_dim3A_16 = vector.shape_cast %reduce_min3A_15 : vector<2048xi32> to vector<2048x1xi32>
    %eq3A_17 = vector.broadcast %broadcast_in_dim3A_16 : vector<2048x1xi32> to vector<2048x16xi32>
    %eq3A_18 = arith.cmpi eq, %iota3A, %eq3A_17 : vector<2048x16xi32>
    %convert_element_type3A = arith.extui %eq3A_18 : vector<2048x16xi1> to vector<2048x16xi32>
    %convert_element_type3A_19 = arith.sitofp %convert_element_type3A : vector<2048x16xi32> to vector<2048x16xf32>
    %iota3A_20 = tpu.iota {dimensions = array<i32: 1>} : vector<256x256xi32>
    %iota3A_21 = tpu.iota {dimensions = array<i32: 0>} : vector<256x256xi32>
    %le3A = arith.cmpi sle, %iota3A_20, %iota3A_21 : vector<256x256xi32>
    %convert_element_type3A_22 = arith.extui %le3A : vector<256x256xi1> to vector<256x256xi32>
    %convert_element_type3A_23 = arith.sitofp %convert_element_type3A_22 : vector<256x256xi32> to vector<256x256xf32>
    %broadcast_in_dim3A_24 = arith.constant 0.000000e+00 : f32
    %broadcast_in_dim3A_25 = vector.broadcast %broadcast_in_dim3A_24 : f32 to vector<1x16xf32>
    %slice3A = vector.extract_strided_slice %convert_element_type3A_19 {offsets = [0, 0], sizes = [256, 16], strides = [1, 1]} : vector<2048x16xf32> to vector<256x16xf32>
    %dot_general3A_26 = arith.constant dense<0.000000e+00> : vector<256x16xf32>
    %dot_general3A_27 = tpu.matmul %convert_element_type3A_23, %slice3A, %dot_general3A_26 {dimension_numbers = #tpu.dot_dimension_numbers<[1], [0], [0], [1], [0, 0, 1, 1], [], []>, transpose_lhs_hint = false} : vector<256x256xf32>, vector<256x16xf32>, vector<256x16xf32> -> vector<256x16xf32>
    %add3A_28 = vector.broadcast %broadcast_in_dim3A_25 : vector<1x16xf32> to vector<256x16xf32>
    %add3A_29 = arith.addf %dot_general3A_27, %add3A_28 : vector<256x16xf32>
    %slice3A_30 = vector.extract_strided_slice %add3A_29 {offsets = [255, 0], sizes = [1, 16], strides = [1, 1]} : vector<256x16xf32> to vector<1x16xf32>
    %slice3A_31 = vector.extract_strided_slice %convert_element_type3A_19 {offsets = [256, 0], sizes = [256, 16], strides = [1, 1]} : vector<2048x16xf32> to vector<256x16xf32>
    %dot_general3A_32 = arith.constant dense<0.000000e+00> : vector<256x16xf32>
    %dot_general3A_33 = tpu.matmul %convert_element_type3A_23, %slice3A_31, %dot_general3A_32 {dimension_numbers = #tpu.dot_dimension_numbers<[1], [0], [0], [1], [0, 0, 1, 1], [], []>, transpose_lhs_hint = false} : vector<256x256xf32>, vector<256x16xf32>, vector<256x16xf32> -> vector<256x16xf32>
    %add3A_34 = vector.broadcast %slice3A_30 : vector<1x16xf32> to vector<256x16xf32>
    %add3A_35 = arith.addf %dot_general3A_33, %add3A_34 : vector<256x16xf32>
    %slice3A_36 = vector.extract_strided_slice %add3A_35 {offsets = [255, 0], sizes = [1, 16], strides = [1, 1]} : vector<256x16xf32> to vector<1x16xf32>
    %slice3A_37 = vector.extract_strided_slice %convert_element_type3A_19 {offsets = [512, 0], sizes = [256, 16], strides = [1, 1]} : vector<2048x16xf32> to vector<256x16xf32>
    %dot_general3A_38 = arith.constant dense<0.000000e+00> : vector<256x16xf32>
    %dot_general3A_39 = tpu.matmul %convert_element_type3A_23, %slice3A_37, %dot_general3A_38 {dimension_numbers = #tpu.dot_dimension_numbers<[1], [0], [0], [1], [0, 0, 1, 1], [], []>, transpose_lhs_hint = false} : vector<256x256xf32>, vector<256x16xf32>, vector<256x16xf32> -> vector<256x16xf32>
    %add3A_40 = vector.broadcast %slice3A_36 : vector<1x16xf32> to vector<256x16xf32>
    %add3A_41 = arith.addf %dot_general3A_39, %add3A_40 : vector<256x16xf32>
    %slice3A_42 = vector.extract_strided_slice %add3A_41 {offsets = [255, 0], sizes = [1, 16], strides = [1, 1]} : vector<256x16xf32> to vector<1x16xf32>
    %slice3A_43 = vector.extract_strided_slice %convert_element_type3A_19 {offsets = [768, 0], sizes = [256, 16], strides = [1, 1]} : vector<2048x16xf32> to vector<256x16xf32>
    %dot_general3A_44 = arith.constant dense<0.000000e+00> : vector<256x16xf32>
    %dot_general3A_45 = tpu.matmul %convert_element_type3A_23, %slice3A_43, %dot_general3A_44 {dimension_numbers = #tpu.dot_dimension_numbers<[1], [0], [0], [1], [0, 0, 1, 1], [], []>, transpose_lhs_hint = false} : vector<256x256xf32>, vector<256x16xf32>, vector<256x16xf32> -> vector<256x16xf32>
    %add3A_46 = vector.broadcast %slice3A_42 : vector<1x16xf32> to vector<256x16xf32>
    %add3A_47 = arith.addf %dot_general3A_45, %add3A_46 : vector<256x16xf32>
    %slice3A_48 = vector.extract_strided_slice %add3A_47 {offsets = [255, 0], sizes = [1, 16], strides = [1, 1]} : vector<256x16xf32> to vector<1x16xf32>
    %slice3A_49 = vector.extract_strided_slice %convert_element_type3A_19 {offsets = [1024, 0], sizes = [256, 16], strides = [1, 1]} : vector<2048x16xf32> to vector<256x16xf32>
    %dot_general3A_50 = arith.constant dense<0.000000e+00> : vector<256x16xf32>
    %dot_general3A_51 = tpu.matmul %convert_element_type3A_23, %slice3A_49, %dot_general3A_50 {dimension_numbers = #tpu.dot_dimension_numbers<[1], [0], [0], [1], [0, 0, 1, 1], [], []>, transpose_lhs_hint = false} : vector<256x256xf32>, vector<256x16xf32>, vector<256x16xf32> -> vector<256x16xf32>
    %add3A_52 = vector.broadcast %slice3A_48 : vector<1x16xf32> to vector<256x16xf32>
    %add3A_53 = arith.addf %dot_general3A_51, %add3A_52 : vector<256x16xf32>
    %slice3A_54 = vector.extract_strided_slice %add3A_53 {offsets = [255, 0], sizes = [1, 16], strides = [1, 1]} : vector<256x16xf32> to vector<1x16xf32>
    %slice3A_55 = vector.extract_strided_slice %convert_element_type3A_19 {offsets = [1280, 0], sizes = [256, 16], strides = [1, 1]} : vector<2048x16xf32> to vector<256x16xf32>
    %dot_general3A_56 = arith.constant dense<0.000000e+00> : vector<256x16xf32>
    %dot_general3A_57 = tpu.matmul %convert_element_type3A_23, %slice3A_55, %dot_general3A_56 {dimension_numbers = #tpu.dot_dimension_numbers<[1], [0], [0], [1], [0, 0, 1, 1], [], []>, transpose_lhs_hint = false} : vector<256x256xf32>, vector<256x16xf32>, vector<256x16xf32> -> vector<256x16xf32>
    %add3A_58 = vector.broadcast %slice3A_54 : vector<1x16xf32> to vector<256x16xf32>
    %add3A_59 = arith.addf %dot_general3A_57, %add3A_58 : vector<256x16xf32>
    %slice3A_60 = vector.extract_strided_slice %add3A_59 {offsets = [255, 0], sizes = [1, 16], strides = [1, 1]} : vector<256x16xf32> to vector<1x16xf32>
    %slice3A_61 = vector.extract_strided_slice %convert_element_type3A_19 {offsets = [1536, 0], sizes = [256, 16], strides = [1, 1]} : vector<2048x16xf32> to vector<256x16xf32>
    %dot_general3A_62 = arith.constant dense<0.000000e+00> : vector<256x16xf32>
    %dot_general3A_63 = tpu.matmul %convert_element_type3A_23, %slice3A_61, %dot_general3A_62 {dimension_numbers = #tpu.dot_dimension_numbers<[1], [0], [0], [1], [0, 0, 1, 1], [], []>, transpose_lhs_hint = false} : vector<256x256xf32>, vector<256x16xf32>, vector<256x16xf32> -> vector<256x16xf32>
    %add3A_64 = vector.broadcast %slice3A_60 : vector<1x16xf32> to vector<256x16xf32>
    %add3A_65 = arith.addf %dot_general3A_63, %add3A_64 : vector<256x16xf32>
    %slice3A_66 = vector.extract_strided_slice %add3A_65 {offsets = [255, 0], sizes = [1, 16], strides = [1, 1]} : vector<256x16xf32> to vector<1x16xf32>
    %slice3A_67 = vector.extract_strided_slice %convert_element_type3A_19 {offsets = [1792, 0], sizes = [256, 16], strides = [1, 1]} : vector<2048x16xf32> to vector<256x16xf32>
    %dot_general3A_68 = arith.constant dense<0.000000e+00> : vector<256x16xf32>
    %dot_general3A_69 = tpu.matmul %convert_element_type3A_23, %slice3A_67, %dot_general3A_68 {dimension_numbers = #tpu.dot_dimension_numbers<[1], [0], [0], [1], [0, 0, 1, 1], [], []>, transpose_lhs_hint = false} : vector<256x256xf32>, vector<256x16xf32>, vector<256x16xf32> -> vector<256x16xf32>
    %add3A_70 = vector.broadcast %slice3A_66 : vector<1x16xf32> to vector<256x16xf32>
    %add3A_71 = arith.addf %dot_general3A_69, %add3A_70 : vector<256x16xf32>
    %slice3A_72 = vector.extract_strided_slice %add3A_71 {offsets = [255, 0], sizes = [1, 16], strides = [1, 1]} : vector<256x16xf32> to vector<1x16xf32>
    %concatenate3A = tpu.concatenate %add3A_29, %add3A_35, %add3A_41, %add3A_47, %add3A_53, %add3A_59, %add3A_65, %add3A_71 in 0 : vector<256x16xf32>, vector<256x16xf32>, vector<256x16xf32>, vector<256x16xf32>, vector<256x16xf32>, vector<256x16xf32>, vector<256x16xf32>, vector<256x16xf32> -> vector<2048x16xf32>
    %sub3A = arith.subf %concatenate3A, %convert_element_type3A_19 : vector<2048x16xf32>
    %mul3A = arith.mulf %sub3A, %convert_element_type3A_19 : vector<2048x16xf32>
    %reduce_sum3A = arith.constant dense<0.000000e+00> : vector<2048xf32>
    %reduce_sum3A_73 = vector.multi_reduction <add>, %mul3A, %reduce_sum3A [1] : vector<2048x16xf32> to vector<2048xf32>
    %broadcast_in_dim3A_74 = vector.shape_cast %reduce_sum3A_73 : vector<2048xf32> to vector<2048x1xf32>
    %add3A_75 = arith.constant 1.270000e+02 : f32
    %add3A_76 = vector.broadcast %add3A_75 : f32 to vector<1x16xf32>
    %add3A_77 = arith.addf %slice3A_72, %add3A_76 : vector<1x16xf32>
    %mul3A_78 = arith.constant 7.812500e-03 : f32
    %mul3A_79 = vector.broadcast %mul3A_78 : f32 to vector<1x16xf32>
    %mul3A_80 = arith.mulf %add3A_77, %mul3A_79 : vector<1x16xf32>
    %floor3A = math.floor %mul3A_80 : vector<1x16xf32>
    %iota3A_81 = tpu.iota {dimensions = array<i32: 0>} : vector<16x16xi32>
    %iota3A_82 = tpu.iota {dimensions = array<i32: 1>} : vector<16x16xi32>
    %le3A_83 = arith.cmpi sle, %iota3A_81, %iota3A_82 : vector<16x16xi32>
    %convert_element_type3A_84 = arith.extui %le3A_83 : vector<16x16xi1> to vector<16x16xi32>
    %convert_element_type3A_85 = arith.sitofp %convert_element_type3A_84 : vector<16x16xi32> to vector<16x16xf32>
    %dot_general3A_86 = arith.constant dense<0.000000e+00> : vector<1x16xf32>
    %dot_general3A_87 = tpu.matmul %floor3A, %convert_element_type3A_85, %dot_general3A_86 {dimension_numbers = #tpu.dot_dimension_numbers<[1], [0], [0], [1], [0, 0, 1, 1], [], []>, transpose_lhs_hint = false} : vector<1x16xf32>, vector<16x16xf32>, vector<1x16xf32> -> vector<1x16xf32>
    %sub3A_88 = arith.subf %dot_general3A_87, %floor3A : vector<1x16xf32>
    %mul3A_89 = vector.broadcast %sub3A_88 : vector<1x16xf32> to vector<2048x16xf32>
    %mul3A_90 = arith.mulf %convert_element_type3A_19, %mul3A_89 : vector<2048x16xf32>
    %reduce_sum3A_91 = arith.constant dense<0.000000e+00> : vector<2048xf32>
    %reduce_sum3A_92 = vector.multi_reduction <add>, %mul3A_90, %reduce_sum3A_91 [1] : vector<2048x16xf32> to vector<2048xf32>
    %broadcast_in_dim3A_93 = vector.shape_cast %reduce_sum3A_92 : vector<2048xf32> to vector<2048x1xf32>
    %mul3A_94 = arith.constant 1.280000e+02 : f32
    %mul3A_95 = vector.broadcast %mul3A_94 : f32 to vector<2048x1xf32>
    %mul3A_96 = arith.mulf %broadcast_in_dim3A_93, %mul3A_95 : vector<2048x1xf32>
    %add3A_97 = arith.addf %mul3A_96, %broadcast_in_dim3A_74 : vector<2048x1xf32>
    %convert_element_type3A_98 = arith.fptosi %add3A_97 : vector<2048x1xf32> to vector<2048x1xi32>
    %swap3A_99 = arith.constant 0 : index
    %swap3A_100 = arith.constant 0 : index
    %swap3A_101 = vector.load %arg5[%swap3A_99, %swap3A_100] : memref<2048x1xi32, #tpu.memory_space<vmem>>, vector<2048x1xi32>
    tpu.vector_store %arg5[%swap3A_99, %swap3A_100], %convert_element_type3A_98 {strides = array<i32>} : memref<2048x1xi32, #tpu.memory_space<vmem>>, vector<2048x1xi32>,
    %convert_element_type3A_102 = arith.fptosi %sub3A_88 : vector<1x16xf32> to vector<1x16xi32>
    %swap3A_103 = arith.constant 0 : index
    %swap3A_104 = arith.constant 0 : index
    %swap3A_105 = vector.load %arg6[%swap3A_103, %swap3A_104] : memref<1x16xi32, #tpu.memory_space<vmem>>, vector<1x16xi32>
    tpu.vector_store %arg6[%swap3A_103, %swap3A_104], %convert_element_type3A_102 {strides = array<i32>} : memref<1x16xi32, #tpu.memory_space<vmem>>, vector<1x16xi32>,
    %convert_element_type3A_106 = arith.fptosi %floor3A : vector<1x16xf32> to vector<1x16xi32>
    %swap3A_107 = arith.constant 0 : index
    %swap3A_108 = arith.constant 0 : index
    %swap3A_109 = vector.load %arg7[%swap3A_107, %swap3A_108] : memref<1x16xi32, #tpu.memory_space<vmem>>, vector<1x16xi32>
    tpu.vector_store %arg7[%swap3A_107, %swap3A_108], %convert_element_type3A_106 {strides = array<i32>} : memref<1x16xi32, #tpu.memory_space<vmem>>, vector<1x16xi32>,
    return
  }
  func.func @transform_0(%arg0: i32) -> (i32, i32) {
    %c0_i32 = arith.constant 0 : i32
    %c0_i32_0 = arith.constant 0 : i32
    %c0_i32_1 = arith.constant 0 : i32
    return %c0_i32, %c0_i32_0 : i32, i32
  }
  func.func @transform_1(%arg0: i32) -> (i32, i32) {
    %c0_i32 = arith.constant 0 : i32
    %c0_i32_0 = arith.constant 0 : i32
    %c0_i32_1 = arith.constant 0 : i32
    return %c0_i32, %c0_i32_0 : i32, i32
  }
  func.func @transform_2(%arg0: i32) -> (i32, i32) {
    %c0_i32 = arith.constant 0 : i32
    %c0_i32_0 = arith.constant 0 : i32
    %c0_i32_1 = arith.constant 0 : i32
    return %c0_i32, %c0_i32_0 : i32, i32
  }
  func.func @transform_3(%arg0: i32) -> (i32, i32) {
    %c0_i32 = arith.constant 0 : i32
    %c0_i32_0 = arith.constant 0 : i32
    %c0_i32_1 = arith.constant 0 : i32
    return %c0_i32, %c0_i32_0 : i32, i32
  }
  func.func @transform_4(%arg0: i32) -> (i32, i32) {
    %c0_i32 = arith.constant 0 : i32
    %c0_i32_0 = arith.constant 0 : i32
    %c0_i32_1 = arith.constant 0 : i32
    return %c0_i32, %c0_i32_0 : i32, i32
  }
  func.func @transform_5(%arg0: i32) -> (i32, i32) {
    %c0_i32 = arith.constant 0 : i32
    %c0_i32_0 = arith.constant 0 : i32
    %c0_i32_1 = arith.constant 0 : i32
    return %c0_i32, %c0_i32_0 : i32, i32
  }
  func.func @transform_6(%arg0: i32) -> (i32, i32) {
    %c0_i32 = arith.constant 0 : i32
    %c0_i32_0 = arith.constant 0 : i32
    %c0_i32_1 = arith.constant 0 : i32
    return %c0_i32, %c0_i32_0 : i32, i32
  }
}

module attributes {stable_mosaic.version = 14 : i64} {
  func.func @_moe_body(%arg0: i32, %arg1: memref<16xi32, #tpu.memory_space<smem>>, %arg2: memref<16xi32, #tpu.memory_space<smem>>, %arg3: memref<4096x768xf32, #tpu.memory_space<vmem>>, %arg4: memref<1x768x768xf32, #tpu.memory_space<vmem>>, %arg5: memref<1x1x768xf32, #tpu.memory_space<vmem>>, %arg6: memref<1x768x768xf32, #tpu.memory_space<vmem>>, %arg7: memref<1x1x768xf32, #tpu.memory_space<vmem>>, %arg8: memref<2x768x768xf32, #tpu.memory_space<vmem>>, %arg9: memref<2x1x768xf32, #tpu.memory_space<vmem>>, %arg10: memref<2x768x768xf32, #tpu.memory_space<vmem>>, %arg11: memref<2x1x768xf32, #tpu.memory_space<vmem>>, %arg12: memref<4096x768xf32, #tpu.memory_space<vmem>>) attributes {dimension_semantics = [#tpu.dimension_semantics<arbitrary>], iteration_bounds = array<i64: 16>, scalar_prefetch = 2 : i64, scratch_operands = 0 : i64, tpu.core_type = #tpu.core_type<tc>, window_params = [{pipeline_mode = #tpu.pipeline_mode<synchronous>, transform_indices = @transform_0, window_bounds = array<i64: 4096, 768>}, {transform_indices = @transform_1, window_bounds = array<i64: 1, 768, 768>}, {transform_indices = @transform_2, window_bounds = array<i64: 1, 1, 768>}, {transform_indices = @transform_3, window_bounds = array<i64: 1, 768, 768>}, {transform_indices = @transform_4, window_bounds = array<i64: 1, 1, 768>}, {pipeline_mode = #tpu.pipeline_mode<synchronous>, transform_indices = @transform_5, window_bounds = array<i64: 2, 768, 768>}, {pipeline_mode = #tpu.pipeline_mode<synchronous>, transform_indices = @transform_6, window_bounds = array<i64: 2, 1, 768>}, {pipeline_mode = #tpu.pipeline_mode<synchronous>, transform_indices = @transform_7, window_bounds = array<i64: 2, 768, 768>}, {pipeline_mode = #tpu.pipeline_mode<synchronous>, transform_indices = @transform_8, window_bounds = array<i64: 2, 1, 768>}, {pipeline_mode = #tpu.pipeline_mode<synchronous>, transform_indices = @transform_9, window_bounds = array<i64: 4096, 768>}]} {
    %get3A = arith.index_cast %arg0 : i32 to index
    %get3A_0 = memref.load %arg1[%get3A] : memref<16xi32, #tpu.memory_space<smem>>
    %get3A_1 = arith.index_cast %arg0 : i32 to index
    %get3A_2 = memref.load %arg2[%get3A_1] : memref<16xi32, #tpu.memory_space<smem>>
    %add3A = arith.constant 1 : i32
    %add3A_3 = arith.addi %get3A_2, %add3A : i32
    %jit3A = arith.constant 2 : i32
    %div3A = arith.divsi %add3A_3, %jit3A : i32
    %sign3A = arith.constant 0 : i32
    %sign3A_4 = arith.cmpi sgt, %add3A_3, %sign3A : i32
    %sign3A_5 = arith.extui %sign3A_4 : i1 to i32
    %sign3A_6 = arith.constant 0 : i32
    %sign3A_7 = arith.cmpi slt, %add3A_3, %sign3A_6 : i32
    %sign3A_8 = arith.extui %sign3A_7 : i1 to i32
    %sign3A_9 = arith.subi %sign3A_5, %sign3A_8 : i32
    %sign3A_10 = arith.constant 0 : i32
    %sign3A_11 = arith.cmpi sgt, %jit3A, %sign3A_10 : i32
    %sign3A_12 = arith.extui %sign3A_11 : i1 to i32
    %sign3A_13 = arith.constant 0 : i32
    %sign3A_14 = arith.cmpi slt, %jit3A, %sign3A_13 : i32
    %sign3A_15 = arith.extui %sign3A_14 : i1 to i32
    %sign3A_16 = arith.subi %sign3A_12, %sign3A_15 : i32
    %ne3A = arith.cmpi ne, %sign3A_9, %sign3A_16 : i32
    %rem3A = arith.remsi %add3A_3, %jit3A : i32
    %ne3A_17 = arith.constant 0 : i32
    %ne3A_18 = arith.cmpi ne, %rem3A, %ne3A_17 : i32
    %and3A = arith.andi %ne3A, %ne3A_18 : i1
    %sub3A = arith.constant 1 : i32
    %sub3A_19 = arith.subi %div3A, %sub3A : i32
    %select_n3A = arith.select %and3A, %sub3A_19, %div3A : i32
    %while3A = arith.constant 0 : i32
    %while3A_20 = arith.constant 0 : i32
    %while3A_21 = arith.subi %select_n3A, %while3A_20 : i32
    %while3A_22 = arith.addi %while3A_20, %while3A_21 : i32
    %while3A_23 = arith.constant 1 : i32
    %while3A_24 = arith.divsi %while3A_21, %while3A_23 : i32
    %while3A_25 = arith.muli %while3A_24, %while3A_23 : i32
    %while3A_26 = arith.addi %while3A_20, %while3A_25 : i32
    %while3A_27 = arith.constant 1 : i32
    scf.for %while3A_29 = %while3A_20 to %while3A_26 step %while3A_27  : i32 {
      %mul3A = arith.constant 128 : i32
      %mul3A_30 = arith.muli %get3A_0, %mul3A : i32
      %mul3A_31 = arith.constant 256 : i32
      %mul3A_32 = arith.muli %while3A_29, %mul3A_31 : i32
      %add3A_33 = arith.addi %mul3A_30, %mul3A_32 : i32
      %get3A_34 = arith.index_cast %add3A_33 : i32 to index
      %get3A_35 = arith.constant 0 : index
      %get3A_36 = vector.load %arg3[%get3A_34, %get3A_35] : memref<4096x768xf32, #tpu.memory_space<vmem>>, vector<256x768xf32>
      %get3A_37 = arith.constant 0 : index
      %get3A_38 = arith.constant 0 : index
      %get3A_39 = arith.constant 0 : index
      %get3A_40 = vector.load %arg4[%get3A_37, %get3A_38, %get3A_39] : memref<1x768x768xf32, #tpu.memory_space<vmem>>, vector<1x768x768xf32>
      %get3A_41 = vector.shape_cast %get3A_40 : vector<1x768x768xf32> to vector<768x768xf32>
      %dot_general3A = arith.constant dense<0.000000e+00> : vector<256x768xf32>
      %dot_general3A_42 = tpu.matmul %get3A_36, %get3A_41, %dot_general3A {dimension_numbers = #tpu.dot_dimension_numbers<[1], [0], [0], [1], [0, 0, 1, 1], [], []>, transpose_lhs_hint = false} : vector<256x768xf32>, vector<768x768xf32>, vector<256x768xf32> -> vector<256x768xf32>
      %get3A_43 = arith.constant 0 : index
      %get3A_44 = arith.constant 0 : index
      %get3A_45 = arith.constant 0 : index
      %get3A_46 = vector.load %arg5[%get3A_43, %get3A_44, %get3A_45] : memref<1x1x768xf32, #tpu.memory_space<vmem>>, vector<1x1x768xf32>
      %get3A_47 = vector.shape_cast %get3A_46 : vector<1x1x768xf32> to vector<1x768xf32>
      %add3A_48 = vector.broadcast %get3A_47 : vector<1x768xf32> to vector<256x768xf32>
      %add3A_49 = arith.addf %dot_general3A_42, %add3A_48 : vector<256x768xf32>
      %max3A = arith.constant 0.000000e+00 : f32
      %max3A_50 = vector.broadcast %max3A : f32 to vector<256x768xf32>
      %max3A_51 = arith.maximumf %add3A_49, %max3A_50 : vector<256x768xf32>
      %get3A_52 = arith.constant 0 : index
      %get3A_53 = arith.constant 0 : index
      %get3A_54 = arith.constant 0 : index
      %get3A_55 = vector.load %arg6[%get3A_52, %get3A_53, %get3A_54] : memref<1x768x768xf32, #tpu.memory_space<vmem>>, vector<1x768x768xf32>
      %get3A_56 = vector.shape_cast %get3A_55 : vector<1x768x768xf32> to vector<768x768xf32>
      %dot_general3A_57 = arith.constant dense<0.000000e+00> : vector<256x768xf32>
      %dot_general3A_58 = tpu.matmul %max3A_51, %get3A_56, %dot_general3A_57 {dimension_numbers = #tpu.dot_dimension_numbers<[1], [0], [0], [1], [0, 0, 1, 1], [], []>, transpose_lhs_hint = false} : vector<256x768xf32>, vector<768x768xf32>, vector<256x768xf32> -> vector<256x768xf32>
      %get3A_59 = arith.constant 0 : index
      %get3A_60 = arith.constant 0 : index
      %get3A_61 = arith.constant 0 : index
      %get3A_62 = vector.load %arg7[%get3A_59, %get3A_60, %get3A_61] : memref<1x1x768xf32, #tpu.memory_space<vmem>>, vector<1x1x768xf32>
      %get3A_63 = vector.shape_cast %get3A_62 : vector<1x1x768xf32> to vector<1x768xf32>
      %add3A_64 = vector.broadcast %get3A_63 : vector<1x768xf32> to vector<256x768xf32>
      %add3A_65 = arith.addf %dot_general3A_58, %add3A_64 : vector<256x768xf32>
      %get3A_66 = arith.constant 0 : index
      %get3A_67 = arith.constant 0 : index
      %get3A_68 = arith.constant 0 : index
      %get3A_69 = vector.load %arg8[%get3A_66, %get3A_67, %get3A_68] : memref<2x768x768xf32, #tpu.memory_space<vmem>>, vector<1x768x768xf32>
      %get3A_70 = vector.shape_cast %get3A_69 : vector<1x768x768xf32> to vector<768x768xf32>
      %dot_general3A_71 = arith.constant dense<0.000000e+00> : vector<256x768xf32>
      %dot_general3A_72 = tpu.matmul %get3A_36, %get3A_70, %dot_general3A_71 {dimension_numbers = #tpu.dot_dimension_numbers<[1], [0], [0], [1], [0, 0, 1, 1], [], []>, transpose_lhs_hint = false} : vector<256x768xf32>, vector<768x768xf32>, vector<256x768xf32> -> vector<256x768xf32>
      %get3A_73 = arith.constant 0 : index
      %get3A_74 = arith.constant 0 : index
      %get3A_75 = arith.constant 0 : index
      %get3A_76 = vector.load %arg9[%get3A_73, %get3A_74, %get3A_75] : memref<2x1x768xf32, #tpu.memory_space<vmem>>, vector<1x1x768xf32>
      %get3A_77 = vector.shape_cast %get3A_76 : vector<1x1x768xf32> to vector<1x768xf32>
      %add3A_78 = vector.broadcast %get3A_77 : vector<1x768xf32> to vector<256x768xf32>
      %add3A_79 = arith.addf %dot_general3A_72, %add3A_78 : vector<256x768xf32>
      %max3A_80 = arith.constant 0.000000e+00 : f32
      %max3A_81 = vector.broadcast %max3A_80 : f32 to vector<256x768xf32>
      %max3A_82 = arith.maximumf %add3A_79, %max3A_81 : vector<256x768xf32>
      %get3A_83 = arith.constant 0 : index
      %get3A_84 = arith.constant 0 : index
      %get3A_85 = arith.constant 0 : index
      %get3A_86 = vector.load %arg10[%get3A_83, %get3A_84, %get3A_85] : memref<2x768x768xf32, #tpu.memory_space<vmem>>, vector<1x768x768xf32>
      %get3A_87 = vector.shape_cast %get3A_86 : vector<1x768x768xf32> to vector<768x768xf32>
      %dot_general3A_88 = arith.constant dense<0.000000e+00> : vector<256x768xf32>
      %dot_general3A_89 = tpu.matmul %max3A_82, %get3A_87, %dot_general3A_88 {dimension_numbers = #tpu.dot_dimension_numbers<[1], [0], [0], [1], [0, 0, 1, 1], [], []>, transpose_lhs_hint = false} : vector<256x768xf32>, vector<768x768xf32>, vector<256x768xf32> -> vector<256x768xf32>
      %add3A_90 = arith.addf %add3A_65, %dot_general3A_89 : vector<256x768xf32>
      %get3A_91 = arith.constant 0 : index
      %get3A_92 = arith.constant 0 : index
      %get3A_93 = arith.constant 0 : index
      %get3A_94 = vector.load %arg11[%get3A_91, %get3A_92, %get3A_93] : memref<2x1x768xf32, #tpu.memory_space<vmem>>, vector<1x1x768xf32>
      %get3A_95 = vector.shape_cast %get3A_94 : vector<1x1x768xf32> to vector<1x768xf32>
      %add3A_96 = vector.broadcast %get3A_95 : vector<1x768xf32> to vector<256x768xf32>
      %add3A_97 = arith.addf %add3A_90, %add3A_96 : vector<256x768xf32>
      %get3A_98 = arith.constant 1 : index
      %get3A_99 = arith.constant 0 : index
      %get3A_100 = arith.constant 0 : index
      %get3A_101 = vector.load %arg8[%get3A_98, %get3A_99, %get3A_100] : memref<2x768x768xf32, #tpu.memory_space<vmem>>, vector<1x768x768xf32>
      %get3A_102 = vector.shape_cast %get3A_101 : vector<1x768x768xf32> to vector<768x768xf32>
      %dot_general3A_103 = arith.constant dense<0.000000e+00> : vector<256x768xf32>
      %dot_general3A_104 = tpu.matmul %get3A_36, %get3A_102, %dot_general3A_103 {dimension_numbers = #tpu.dot_dimension_numbers<[1], [0], [0], [1], [0, 0, 1, 1], [], []>, transpose_lhs_hint = false} : vector<256x768xf32>, vector<768x768xf32>, vector<256x768xf32> -> vector<256x768xf32>
      %get3A_105 = arith.constant 1 : index
      %get3A_106 = arith.constant 0 : index
      %get3A_107 = arith.constant 0 : index
      %get3A_108 = vector.load %arg9[%get3A_105, %get3A_106, %get3A_107] : memref<2x1x768xf32, #tpu.memory_space<vmem>>, vector<1x1x768xf32>
      %get3A_109 = vector.shape_cast %get3A_108 : vector<1x1x768xf32> to vector<1x768xf32>
      %add3A_110 = vector.broadcast %get3A_109 : vector<1x768xf32> to vector<256x768xf32>
      %add3A_111 = arith.addf %dot_general3A_104, %add3A_110 : vector<256x768xf32>
      %max3A_112 = arith.constant 0.000000e+00 : f32
      %max3A_113 = vector.broadcast %max3A_112 : f32 to vector<256x768xf32>
      %max3A_114 = arith.maximumf %add3A_111, %max3A_113 : vector<256x768xf32>
      %get3A_115 = arith.constant 1 : index
      %get3A_116 = arith.constant 0 : index
      %get3A_117 = arith.constant 0 : index
      %get3A_118 = vector.load %arg10[%get3A_115, %get3A_116, %get3A_117] : memref<2x768x768xf32, #tpu.memory_space<vmem>>, vector<1x768x768xf32>
      %get3A_119 = vector.shape_cast %get3A_118 : vector<1x768x768xf32> to vector<768x768xf32>
      %dot_general3A_120 = arith.constant dense<0.000000e+00> : vector<256x768xf32>
      %dot_general3A_121 = tpu.matmul %max3A_114, %get3A_119, %dot_general3A_120 {dimension_numbers = #tpu.dot_dimension_numbers<[1], [0], [0], [1], [0, 0, 1, 1], [], []>, transpose_lhs_hint = false} : vector<256x768xf32>, vector<768x768xf32>, vector<256x768xf32> -> vector<256x768xf32>
      %add3A_122 = arith.addf %add3A_97, %dot_general3A_121 : vector<256x768xf32>
      %get3A_123 = arith.constant 1 : index
      %get3A_124 = arith.constant 0 : index
      %get3A_125 = arith.constant 0 : index
      %get3A_126 = vector.load %arg11[%get3A_123, %get3A_124, %get3A_125] : memref<2x1x768xf32, #tpu.memory_space<vmem>>, vector<1x1x768xf32>
      %get3A_127 = vector.shape_cast %get3A_126 : vector<1x1x768xf32> to vector<1x768xf32>
      %add3A_128 = vector.broadcast %get3A_127 : vector<1x768xf32> to vector<256x768xf32>
      %add3A_129 = arith.addf %add3A_122, %add3A_128 : vector<256x768xf32>
      %mul3A_130 = arith.constant 128 : i32
      %mul3A_131 = arith.muli %get3A_0, %mul3A_130 : i32
      %mul3A_132 = arith.constant 256 : i32
      %mul3A_133 = arith.muli %while3A_29, %mul3A_132 : i32
      %add3A_134 = arith.addi %mul3A_131, %mul3A_133 : i32
      %swap3A = arith.index_cast %add3A_134 : i32 to index
      %swap3A_135 = arith.constant 0 : index
      %swap3A_136 = vector.load %arg12[%swap3A, %swap3A_135] : memref<4096x768xf32, #tpu.memory_space<vmem>>, vector<256x768xf32>
      tpu.vector_store %arg12[%swap3A, %swap3A_135], %add3A_129 {strides = array<i32>} : memref<4096x768xf32, #tpu.memory_space<vmem>>, vector<256x768xf32>,
    }
    %while3A_28 = arith.constant 1 : i32
    scf.for %while3A_29 = %while3A_26 to %while3A_22 step %while3A_28  : i32 {
      %mul3A = arith.constant 128 : i32
      %mul3A_30 = arith.muli %get3A_0, %mul3A : i32
      %mul3A_31 = arith.constant 256 : i32
      %mul3A_32 = arith.muli %while3A_29, %mul3A_31 : i32
      %add3A_33 = arith.addi %mul3A_30, %mul3A_32 : i32
      %get3A_34 = arith.index_cast %add3A_33 : i32 to index
      %get3A_35 = arith.constant 0 : index
      %get3A_36 = vector.load %arg3[%get3A_34, %get3A_35] : memref<4096x768xf32, #tpu.memory_space<vmem>>, vector<256x768xf32>
      %get3A_37 = arith.constant 0 : index
      %get3A_38 = arith.constant 0 : index
      %get3A_39 = arith.constant 0 : index
      %get3A_40 = vector.load %arg4[%get3A_37, %get3A_38, %get3A_39] : memref<1x768x768xf32, #tpu.memory_space<vmem>>, vector<1x768x768xf32>
      %get3A_41 = vector.shape_cast %get3A_40 : vector<1x768x768xf32> to vector<768x768xf32>
      %dot_general3A = arith.constant dense<0.000000e+00> : vector<256x768xf32>
      %dot_general3A_42 = tpu.matmul %get3A_36, %get3A_41, %dot_general3A {dimension_numbers = #tpu.dot_dimension_numbers<[1], [0], [0], [1], [0, 0, 1, 1], [], []>, transpose_lhs_hint = false} : vector<256x768xf32>, vector<768x768xf32>, vector<256x768xf32> -> vector<256x768xf32>
      %get3A_43 = arith.constant 0 : index
      %get3A_44 = arith.constant 0 : index
      %get3A_45 = arith.constant 0 : index
      %get3A_46 = vector.load %arg5[%get3A_43, %get3A_44, %get3A_45] : memref<1x1x768xf32, #tpu.memory_space<vmem>>, vector<1x1x768xf32>
      %get3A_47 = vector.shape_cast %get3A_46 : vector<1x1x768xf32> to vector<1x768xf32>
      %add3A_48 = vector.broadcast %get3A_47 : vector<1x768xf32> to vector<256x768xf32>
      %add3A_49 = arith.addf %dot_general3A_42, %add3A_48 : vector<256x768xf32>
      %max3A = arith.constant 0.000000e+00 : f32
      %max3A_50 = vector.broadcast %max3A : f32 to vector<256x768xf32>
      %max3A_51 = arith.maximumf %add3A_49, %max3A_50 : vector<256x768xf32>
      %get3A_52 = arith.constant 0 : index
      %get3A_53 = arith.constant 0 : index
      %get3A_54 = arith.constant 0 : index
      %get3A_55 = vector.load %arg6[%get3A_52, %get3A_53, %get3A_54] : memref<1x768x768xf32, #tpu.memory_space<vmem>>, vector<1x768x768xf32>
      %get3A_56 = vector.shape_cast %get3A_55 : vector<1x768x768xf32> to vector<768x768xf32>
      %dot_general3A_57 = arith.constant dense<0.000000e+00> : vector<256x768xf32>
      %dot_general3A_58 = tpu.matmul %max3A_51, %get3A_56, %dot_general3A_57 {dimension_numbers = #tpu.dot_dimension_numbers<[1], [0], [0], [1], [0, 0, 1, 1], [], []>, transpose_lhs_hint = false} : vector<256x768xf32>, vector<768x768xf32>, vector<256x768xf32> -> vector<256x768xf32>
      %get3A_59 = arith.constant 0 : index
      %get3A_60 = arith.constant 0 : index
      %get3A_61 = arith.constant 0 : index
      %get3A_62 = vector.load %arg7[%get3A_59, %get3A_60, %get3A_61] : memref<1x1x768xf32, #tpu.memory_space<vmem>>, vector<1x1x768xf32>
      %get3A_63 = vector.shape_cast %get3A_62 : vector<1x1x768xf32> to vector<1x768xf32>
      %add3A_64 = vector.broadcast %get3A_63 : vector<1x768xf32> to vector<256x768xf32>
      %add3A_65 = arith.addf %dot_general3A_58, %add3A_64 : vector<256x768xf32>
      %get3A_66 = arith.constant 0 : index
      %get3A_67 = arith.constant 0 : index
      %get3A_68 = arith.constant 0 : index
      %get3A_69 = vector.load %arg8[%get3A_66, %get3A_67, %get3A_68] : memref<2x768x768xf32, #tpu.memory_space<vmem>>, vector<1x768x768xf32>
      %get3A_70 = vector.shape_cast %get3A_69 : vector<1x768x768xf32> to vector<768x768xf32>
      %dot_general3A_71 = arith.constant dense<0.000000e+00> : vector<256x768xf32>
      %dot_general3A_72 = tpu.matmul %get3A_36, %get3A_70, %dot_general3A_71 {dimension_numbers = #tpu.dot_dimension_numbers<[1], [0], [0], [1], [0, 0, 1, 1], [], []>, transpose_lhs_hint = false} : vector<256x768xf32>, vector<768x768xf32>, vector<256x768xf32> -> vector<256x768xf32>
      %get3A_73 = arith.constant 0 : index
      %get3A_74 = arith.constant 0 : index
      %get3A_75 = arith.constant 0 : index
      %get3A_76 = vector.load %arg9[%get3A_73, %get3A_74, %get3A_75] : memref<2x1x768xf32, #tpu.memory_space<vmem>>, vector<1x1x768xf32>
      %get3A_77 = vector.shape_cast %get3A_76 : vector<1x1x768xf32> to vector<1x768xf32>
      %add3A_78 = vector.broadcast %get3A_77 : vector<1x768xf32> to vector<256x768xf32>
      %add3A_79 = arith.addf %dot_general3A_72, %add3A_78 : vector<256x768xf32>
      %max3A_80 = arith.constant 0.000000e+00 : f32
      %max3A_81 = vector.broadcast %max3A_80 : f32 to vector<256x768xf32>
      %max3A_82 = arith.maximumf %add3A_79, %max3A_81 : vector<256x768xf32>
      %get3A_83 = arith.constant 0 : index
      %get3A_84 = arith.constant 0 : index
      %get3A_85 = arith.constant 0 : index
      %get3A_86 = vector.load %arg10[%get3A_83, %get3A_84, %get3A_85] : memref<2x768x768xf32, #tpu.memory_space<vmem>>, vector<1x768x768xf32>
      %get3A_87 = vector.shape_cast %get3A_86 : vector<1x768x768xf32> to vector<768x768xf32>
      %dot_general3A_88 = arith.constant dense<0.000000e+00> : vector<256x768xf32>
      %dot_general3A_89 = tpu.matmul %max3A_82, %get3A_87, %dot_general3A_88 {dimension_numbers = #tpu.dot_dimension_numbers<[1], [0], [0], [1], [0, 0, 1, 1], [], []>, transpose_lhs_hint = false} : vector<256x768xf32>, vector<768x768xf32>, vector<256x768xf32> -> vector<256x768xf32>
      %add3A_90 = arith.addf %add3A_65, %dot_general3A_89 : vector<256x768xf32>
      %get3A_91 = arith.constant 0 : index
      %get3A_92 = arith.constant 0 : index
      %get3A_93 = arith.constant 0 : index
      %get3A_94 = vector.load %arg11[%get3A_91, %get3A_92, %get3A_93] : memref<2x1x768xf32, #tpu.memory_space<vmem>>, vector<1x1x768xf32>
      %get3A_95 = vector.shape_cast %get3A_94 : vector<1x1x768xf32> to vector<1x768xf32>
      %add3A_96 = vector.broadcast %get3A_95 : vector<1x768xf32> to vector<256x768xf32>
      %add3A_97 = arith.addf %add3A_90, %add3A_96 : vector<256x768xf32>
      %get3A_98 = arith.constant 1 : index
      %get3A_99 = arith.constant 0 : index
      %get3A_100 = arith.constant 0 : index
      %get3A_101 = vector.load %arg8[%get3A_98, %get3A_99, %get3A_100] : memref<2x768x768xf32, #tpu.memory_space<vmem>>, vector<1x768x768xf32>
      %get3A_102 = vector.shape_cast %get3A_101 : vector<1x768x768xf32> to vector<768x768xf32>
      %dot_general3A_103 = arith.constant dense<0.000000e+00> : vector<256x768xf32>
      %dot_general3A_104 = tpu.matmul %get3A_36, %get3A_102, %dot_general3A_103 {dimension_numbers = #tpu.dot_dimension_numbers<[1], [0], [0], [1], [0, 0, 1, 1], [], []>, transpose_lhs_hint = false} : vector<256x768xf32>, vector<768x768xf32>, vector<256x768xf32> -> vector<256x768xf32>
      %get3A_105 = arith.constant 1 : index
      %get3A_106 = arith.constant 0 : index
      %get3A_107 = arith.constant 0 : index
      %get3A_108 = vector.load %arg9[%get3A_105, %get3A_106, %get3A_107] : memref<2x1x768xf32, #tpu.memory_space<vmem>>, vector<1x1x768xf32>
      %get3A_109 = vector.shape_cast %get3A_108 : vector<1x1x768xf32> to vector<1x768xf32>
      %add3A_110 = vector.broadcast %get3A_109 : vector<1x768xf32> to vector<256x768xf32>
      %add3A_111 = arith.addf %dot_general3A_104, %add3A_110 : vector<256x768xf32>
      %max3A_112 = arith.constant 0.000000e+00 : f32
      %max3A_113 = vector.broadcast %max3A_112 : f32 to vector<256x768xf32>
      %max3A_114 = arith.maximumf %add3A_111, %max3A_113 : vector<256x768xf32>
      %get3A_115 = arith.constant 1 : index
      %get3A_116 = arith.constant 0 : index
      %get3A_117 = arith.constant 0 : index
      %get3A_118 = vector.load %arg10[%get3A_115, %get3A_116, %get3A_117] : memref<2x768x768xf32, #tpu.memory_space<vmem>>, vector<1x768x768xf32>
      %get3A_119 = vector.shape_cast %get3A_118 : vector<1x768x768xf32> to vector<768x768xf32>
      %dot_general3A_120 = arith.constant dense<0.000000e+00> : vector<256x768xf32>
      %dot_general3A_121 = tpu.matmul %max3A_114, %get3A_119, %dot_general3A_120 {dimension_numbers = #tpu.dot_dimension_numbers<[1], [0], [0], [1], [0, 0, 1, 1], [], []>, transpose_lhs_hint = false} : vector<256x768xf32>, vector<768x768xf32>, vector<256x768xf32> -> vector<256x768xf32>
      %add3A_122 = arith.addf %add3A_97, %dot_general3A_121 : vector<256x768xf32>
      %get3A_123 = arith.constant 1 : index
      %get3A_124 = arith.constant 0 : index
      %get3A_125 = arith.constant 0 : index
      %get3A_126 = vector.load %arg11[%get3A_123, %get3A_124, %get3A_125] : memref<2x1x768xf32, #tpu.memory_space<vmem>>, vector<1x1x768xf32>
      %get3A_127 = vector.shape_cast %get3A_126 : vector<1x1x768xf32> to vector<1x768xf32>
      %add3A_128 = vector.broadcast %get3A_127 : vector<1x768xf32> to vector<256x768xf32>
      %add3A_129 = arith.addf %add3A_122, %add3A_128 : vector<256x768xf32>
      %mul3A_130 = arith.constant 128 : i32
      %mul3A_131 = arith.muli %get3A_0, %mul3A_130 : i32
      %mul3A_132 = arith.constant 256 : i32
      %mul3A_133 = arith.muli %while3A_29, %mul3A_132 : i32
      %add3A_134 = arith.addi %mul3A_131, %mul3A_133 : i32
      %swap3A = arith.index_cast %add3A_134 : i32 to index
      %swap3A_135 = arith.constant 0 : index
      %swap3A_136 = vector.load %arg12[%swap3A, %swap3A_135] : memref<4096x768xf32, #tpu.memory_space<vmem>>, vector<256x768xf32>
      tpu.vector_store %arg12[%swap3A, %swap3A_135], %add3A_129 {strides = array<i32>} : memref<4096x768xf32, #tpu.memory_space<vmem>>, vector<256x768xf32>,
    }
    return
  }
  func.func @transform_0(%arg0: i32, %arg1: memref<16xi32, #tpu.memory_space<smem>>, %arg2: memref<16xi32, #tpu.memory_space<smem>>) -> (i32, i32) {
    %c0_i32 = arith.constant 0 : i32
    %c0_i32_0 = arith.constant 0 : i32
    %c0_i32_1 = arith.constant 0 : i32
    return %c0_i32, %c0_i32_0 : i32, i32
  }
  func.func @transform_1(%arg0: i32, %arg1: memref<16xi32, #tpu.memory_space<smem>>, %arg2: memref<16xi32, #tpu.memory_space<smem>>) -> (i32, i32, i32) {
    %c0_i32 = arith.constant 0 : i32
    %c0_i32_0 = arith.constant 0 : i32
    %c0_i32_1 = arith.constant 0 : i32
    return %arg0, %c0_i32, %c0_i32_0 : i32, i32, i32
  }
  func.func @transform_2(%arg0: i32, %arg1: memref<16xi32, #tpu.memory_space<smem>>, %arg2: memref<16xi32, #tpu.memory_space<smem>>) -> (i32, i32, i32) {
    %c0_i32 = arith.constant 0 : i32
    %c0_i32_0 = arith.constant 0 : i32
    %c0_i32_1 = arith.constant 0 : i32
    return %arg0, %c0_i32, %c0_i32_0 : i32, i32, i32
  }
  func.func @transform_3(%arg0: i32, %arg1: memref<16xi32, #tpu.memory_space<smem>>, %arg2: memref<16xi32, #tpu.memory_space<smem>>) -> (i32, i32, i32) {
    %c0_i32 = arith.constant 0 : i32
    %c0_i32_0 = arith.constant 0 : i32
    %c0_i32_1 = arith.constant 0 : i32
    return %arg0, %c0_i32, %c0_i32_0 : i32, i32, i32
  }
  func.func @transform_4(%arg0: i32, %arg1: memref<16xi32, #tpu.memory_space<smem>>, %arg2: memref<16xi32, #tpu.memory_space<smem>>) -> (i32, i32, i32) {
    %c0_i32 = arith.constant 0 : i32
    %c0_i32_0 = arith.constant 0 : i32
    %c0_i32_1 = arith.constant 0 : i32
    return %arg0, %c0_i32, %c0_i32_0 : i32, i32, i32
  }
  func.func @transform_5(%arg0: i32, %arg1: memref<16xi32, #tpu.memory_space<smem>>, %arg2: memref<16xi32, #tpu.memory_space<smem>>) -> (i32, i32, i32) {
    %c0_i32 = arith.constant 0 : i32
    %c0_i32_0 = arith.constant 0 : i32
    %c0_i32_1 = arith.constant 0 : i32
    %c0_i32_2 = arith.constant 0 : i32
    return %c0_i32, %c0_i32_0, %c0_i32_1 : i32, i32, i32
  }
  func.func @transform_6(%arg0: i32, %arg1: memref<16xi32, #tpu.memory_space<smem>>, %arg2: memref<16xi32, #tpu.memory_space<smem>>) -> (i32, i32, i32) {
    %c0_i32 = arith.constant 0 : i32
    %c0_i32_0 = arith.constant 0 : i32
    %c0_i32_1 = arith.constant 0 : i32
    %c0_i32_2 = arith.constant 0 : i32
    return %c0_i32, %c0_i32_0, %c0_i32_1 : i32, i32, i32
  }
  func.func @transform_7(%arg0: i32, %arg1: memref<16xi32, #tpu.memory_space<smem>>, %arg2: memref<16xi32, #tpu.memory_space<smem>>) -> (i32, i32, i32) {
    %c0_i32 = arith.constant 0 : i32
    %c0_i32_0 = arith.constant 0 : i32
    %c0_i32_1 = arith.constant 0 : i32
    %c0_i32_2 = arith.constant 0 : i32
    return %c0_i32, %c0_i32_0, %c0_i32_1 : i32, i32, i32
  }
  func.func @transform_8(%arg0: i32, %arg1: memref<16xi32, #tpu.memory_space<smem>>, %arg2: memref<16xi32, #tpu.memory_space<smem>>) -> (i32, i32, i32) {
    %c0_i32 = arith.constant 0 : i32
    %c0_i32_0 = arith.constant 0 : i32
    %c0_i32_1 = arith.constant 0 : i32
    %c0_i32_2 = arith.constant 0 : i32
    return %c0_i32, %c0_i32_0, %c0_i32_1 : i32, i32, i32
  }
  func.func @transform_9(%arg0: i32, %arg1: memref<16xi32, #tpu.memory_space<smem>>, %arg2: memref<16xi32, #tpu.memory_space<smem>>) -> (i32, i32) {
    %c0_i32 = arith.constant 0 : i32
    %c0_i32_0 = arith.constant 0 : i32
    %c0_i32_1 = arith.constant 0 : i32
    return %c0_i32, %c0_i32_0 : i32, i32
  }
}

</mosaic_0001>

<sc_bundles>
// kernel: kernel.6.cloned.1.call-start
scs
__scs_entry_jumppad:
0x0: {  	(pc) =	sbr.rel $0x88, $3  }
0x1: {  	(tag) =	ssettag $0x0;
	lr =	simm.s32 $0x1  }
0x2: {  	[smem:$0x3F96] =	sst lr;
	_ =	strace $0xD0000000  }
0x3: {  	_ = 	snop  }
0x4: {  	_ = 	snop  }
0x5: {  	_ = 	snop  }
0x6: {  	_ = 	snop  }
0x7: {  	_ = 	snop  }
__scs_overlays_trampoline_lowered:
0x8: {  	[smem:$0x3FA5] =	sst s0  }
0x9: {  	[smem:$0x3FA6] =	sst s1  }
0xa: {  	[smem:$0x3FA7] =	sst s2  }
0xb: {  	[smem:$0x3FA8] =	sst s3  }
0xc: {  	[smem:$0x3FA9] =	sst s4  }
0xd: {  	[smem:$0x3FAA] =	sst s5  }
0xe: {  	[smem:$0x3FAB] =	sst s6  }
0xf: {  	[smem:$0x3FAC] =	sst s7  }
0x10: {  	[smem:$0x3FAD] =	sst s8  }
0x11: {  	[smem:$0x3FAE] =	sst s9;
	s0 =	simm.s32 @!p0 $0x0  }
0x12: {  	s1 =	sld [smem:$0x3F94];
	s0 =	simm.s32 @p0 $0x1  }
0x13: {  	[smem:$0x3FAF] =	sst s0;
	s0 =	simm.s32 @!p1 $0x0  }
0x14: {  	s2 =	sld [smem:$0x3F93];
	s0 =	simm.s32 @p1 $0x1  }
0x15: {  	[smem:$0x3FB0] =	sst s0;
	s0 =	simm.s32 @!p2 $0x0  }
0x16: {  	s3 =	sld [smem:$0x3FDB];
	s0 =	simm.s32 @p2 $0x1  }
0x17: {  	s4 =	simm.s32 $0x1BF5;
	[smem:$0x3FB2] =	sst s0  }
0x18: {  	s0 =	sld [smem:$0x3F95];
	_ =	swait.ge [sflag:s4], $0x0  }
0x19: {  	s7 =	sld [smem:$0x3F96]  }
0x1a: {  	s8 =	sadd.s32 $0xFFFFE003, lr  }
0x1b: {  	s9 =	sadd.s32 $0xFFFFFEF7, lr;
	s5 =	simm.s32 $0xFFFFFFFF;
	p2 =	slt.u32 s8, $0xFFFFF086  }
0x1c: {  	p1 =	slt.u32 s9, $0xF7A;
	s5 =	simm.s32 @!p2 $0x0  }
0x1d: {  	s5 =	simm.s32 @p1 $0x1;
	p0 =	seq.s32 s7, s2  }
0x1e: {  	s7 =	smul.u32 @!p0 $0xF7A, s2;
	p2 =	seq.s32 @!p0 s5, $0x0  }
0x1f: {  	s9 =	smul.u32 $0xF7A, s1;
	s8 =	simm.s32 @!p0 $0x1BF5;
	p2 =	por !p2, p0  }
0x20: {  	[sflag:s8] =	ssyncset.s32 @!p0 $0xFFFFF086;
	s6 =	sadd.s32 @!p0 s3, s7;
	s7 =	simm.s32 @!p0 $0x108  }
0x21: {  	s3 =	sadd.s32 s3, s9;
	s6 =	sadd.s32 @!p0 $0x88, s6;
	s7 =	simm.s32 @p2 $0x1082  }
0x22: {  	[simem:s7], [sflag:s8] =	dma.local @!p0 [hbm:s6], $0xF7A  }
0x23: {  	s9 =	sor.u32 $0xD0000000, s2;
	s6 =	simm.s32 $0x108;
	_ =	swait.ge @!p0 [sflag:s8], $0x0  }
0x24: {  	s3 =	sadd.s32 $0x88, s3;
	s6 =	simm.s32 @!p1 $0x1082;
	[sflag:s4] =	ssyncset.s32 $0xFFFFF086  }
0x25: {  	[simem:s6], [sflag:s4] =	dma.local [hbm:s3], $0xF7A  }
0x26: {  	[smem:$0x3F96] =	sst s1;
	(tag) =	ssettag s2;
	_ =	strace s9  }
0x27: {  	s1 =	sld [smem:$0x3FA6]  }
0x28: {  	s2 =	sld [smem:$0x3FA7]  }
0x29: {  	s4 =	sld [smem:$0x3FA9]  }
0x2a: {  	p0 =	seq.s32 s5, $0x0;
	s5 =	sld [smem:$0x3FAA]  }
0x2b: {  	s6 =	sld [smem:$0x3FAB]  }
0x2c: {  	s7 =	sld [smem:$0x3FAC]  }
0x2d: {  	s3 =	simm.s32 $0x108;
	s8 =	sld [smem:$0x3FAD]  }
0x2e: {  	s3 =	simm.s32 @!p0 $0x1082;
	s9 =	sld [smem:$0x3FAE]  }
0x2f: {  	lr =	sadd.s32 s0, s3;
	s0 =	sld [smem:$0x3FA5]  }
0x30: {  	s3 =	sld [smem:$0x3FA8]  }
0x31: {  	[smem:$0x3FB1] =	sst s10  }
0x32: {  	s10 =	sld [smem:$0x3FAF];
	_ =	sdelay $0x3  }
0x33: {  	p0 =	seq.s32 s10, $0x1;
	s10 =	sld [smem:$0x3FB1];
	_ =	sdelay $0x3  }
0x34: {  	[smem:$0x3FB1] =	sst s10  }
0x35: {  	s10 =	sld [smem:$0x3FB0];
	_ =	sdelay $0x3  }
0x36: {  	p1 =	seq.s32 s10, $0x1;
	s10 =	sld [smem:$0x3FB1];
	_ =	sdelay $0x3  }
0x37: {  	[smem:$0x3FB1] =	sst s10  }
0x38: {  	s10 =	sld [smem:$0x3FB2]  }
0x39: {  	_ = 	snop;
	(pc) =	sbr.ind lr, $3  }
0x3a: {  	_ = 	snop  }
0x3b: {  	_ = 	snop  }
0x3c: {  	p2 =	seq.s32 s10, $0x1;
	s10 =	sld [smem:$0x3FB1]  }
0x3d: {  	_ =	shalt  }
0x3e: {  	_ =	shalt  }
0x3f: {  	_ =	shalt  }
0x40: {  	_ =	shalt  }
0x41: {  	_ =	shalt  }
0x42: {  	_ =	shalt  }
0x43: {  	_ =	shalt  }
0x44: {  	_ =	shalt  }
0x45: {  	_ =	shalt  }
0x46: {  	_ =	shalt  }
0x47: {  	_ =	shalt  }
0x48: {  	_ =	shalt  }
0x49: {  	_ =	shalt  }
0x4a: {  	_ =	shalt  }
0x4b: {  	_ =	shalt  }
0x4c: {  	_ =	shalt  }
0x4d: {  	_ =	shalt  }
0x4e: {  	_ =	shalt  }
0x4f: {  	_ =	shalt  }
0x50: {  	_ =	shalt  }
0x51: {  	_ =	shalt  }
0x52: {  	_ =	shalt  }
0x53: {  	_ =	shalt  }
0x54: {  	_ =	shalt  }
0x55: {  	_ =	shalt  }
0x56: {  	_ =	shalt  }
0x57: {  	_ =	shalt  }
0x58: {  	_ =	shalt  }
0x59: {  	_ =	shalt  }
0x5a: {  	_ =	shalt  }
0x5b: {  	_ =	shalt  }
0x5c: {  	_ =	shalt  }
0x5d: {  	_ =	shalt  }
0x5e: {  	_ =	shalt  }
0x5f: {  	_ =	shalt  }
0x60: {  	_ =	shalt  }
0x61: {  	_ =	shalt  }
0x62: {  	_ =	shalt  }
0x63: {  	_ =	shalt  }
0x64: {  	_ =	shalt  }
0x65: {  	_ =	shalt  }
0x66: {  	_ =	shalt  }
0x67: {  	_ =	shalt  }
0x68: {  	_ =	shalt  }
0x69: {  	_ =	shalt  }
0x6a: {  	_ =	shalt  }
0x6b: {  	_ =	shalt  }
0x6c: {  	_ =	shalt  }
0x6d: {  	_ =	shalt  }
0x6e: {  	_ =	shalt  }
0x6f: {  	_ =	shalt  }
0x70: {  	_ =	shalt  }
0x71: {  	_ =	shalt  }
0x72: {  	_ =	shalt  }
0x73: {  	_ =	shalt  }
0x74: {  	_ =	shalt  }
0x75: {  	_ =	shalt  }
0x76: {  	_ =	shalt  }
0x77: {  	_ =	shalt  }
0x78: {  	_ =	shalt  }
0x79: {  	_ =	shalt  }
0x7a: {  	_ =	shalt  }
0x7b: {  	_ =	shalt  }
0x7c: {  	_ =	shalt  }
0x7d: {  	_ =	shalt  }
0x7e: {  	_ =	shalt  }
0x7f: {  	_ =	shalt  }
0x80: {  	_ =	shalt  }
0x81: {  	_ =	shalt  }
0x82: {  	_ =	shalt  }
0x83: {  	_ =	shalt  }
0x84: {  	_ =	shalt  }
0x85: {  	_ =	shalt  }
0x86: {  	_ =	shalt  }
0x87: {  	_ =	shalt  }
.Lfunc_end0:
.L_simem_size_0:
called_computation_lowered:
.L_overlay_start_0:
0x88: {  	s2 =	sld [smem:$0x3FD9]  }
0x89: {  	s3 =	sld [smem:$0x3FFE];
	_ =	sdelay $0x1  }
0x8a: {  	s1 =	srdreg.scid  }
0x8b: {  	s0 =	sand.u32 $0x1, s1  }
0x8c: {  	s14 =	sshll.u32 s0, $0xA;
	s2 =	sadd.s32 s3, s2  }
0x8d: {  	s2 =	sadd.s32 s2, s14  }
0x8e: {  	[smem:$0x3FBD] =	sst s2  }
0x8f: {  	_ = 	snop  }
0x90: {  	s2 =	sld [smem:$0x3FD0];
	_ =	sdelay $0x2  }
0x91: {  	s4 =	simm.s32 $0xA;
	s5 =	simm.s32 $0x10;
	s15 =	sld [smem:$0x3FC9]  }
0x92: {  	[smem:s5], [sflag:s4] =	dma.local [hbm:s2], $0x1  }
0x93: {  	_ =	swait.eq [sflag:s4], $0x1  }
0x94: {  	[sflag:s4] =	ssyncset.done $0x0  }
0x95: {  	[sflag:s4] =	ssyncadd.s32 $0xFFFFFFFF  }
0x96: {  	s16 =	sld [smem:$0x11];
	(tm) =	ssettm $0x1  }
0x97: {  	s17 =	sld [smem:$0x3FFB];
	_ =	sdelay $0x3  }
0x98: {  	_ =	strace s17  }
0x99: {  	s4 =	sld [smem:$0x3FFC];
	_ =	sdelay $0x3  }
0x9a: {  	_ =	strace s4  }
0x9b: {  	s4 =	sld [smem:$0x3FFD];
	_ =	sdelay $0x3  }
0x9c: {  	_ =	strace s4  }
0x9d: {  	_ =	strace $0x8FFFFFFF  }
0x9e: {  	s18 =	sld [smem:$0x3FDB];
	_ =	sdelay $0x1  }
0x9f: {  	s19 =	simm.s32 $_scs_section_size  }
0xa0: {  	s6 =	simm.s32 $_size__tile_overlayer_lowered;
	s7 =	simm.s32 $_tile_overlayer_lowered  }
0xa1: {  	s22 =	simm.s32 $0x1BFF;
	s21 =	sshll.u32 s7, $0x1;
	s4 =	sadd.s32 s19, s18  }
0xa2: {  	s8 =	simm.s32 $0x0;
	s20 =	sshll.u32 s6, $0x1;
	s6 =	sadd.s32 s21, s4  }
0xa3: {  	[timem:s8], [sflag:s22] =	dma.local [hbm:s6], s20  }
0xa4: {  	_ =	swait.ge [sflag:s22], s20  }
0xa5: {  	s5 =	ssub.s32 $0x0, s20;
	[sflag:s22] =	ssyncset.done $0x0  }
0xa6: {  	[sflag:s22] =	ssyncadd.s32 s5;
	_ =	sdelay $0x1  }
0xa7: {  	s23 =	simm.s32 $0x1B8B  }
0xa8: {  	_ =	swait.ge [sflag:s23], $0x1  }
0xa9: {  	[sflag:s23] =	ssyncset.done $0x0  }
0xaa: {  	s25 =	simm.s32 $0x1B8E;
	s24 =	sld [smem:$0x3FFE];
	[sflag:s23] =	ssyncadd.s32 $0xFFFFFFFF  }
0xab: {  	s26 =	simm.s32 $execute0_lowered;
	[smem:$0x3FD2] =	sst s25  }
0xac: {  	s6 =	sshll.u32 s26, $0x1;
	_ =	strace $0x80000046;
	[dreg:$0x1] =	wrdreg $0xFFFFFFFF  }
0xad: {  	s28 =	simm.s32 $_size_execute0_lowered;
	s4 =	sadd.s32 s4, s6;
	[dreg:$0x0] =	wrdreg $0x0  }
0xae: {  	s6 =	sshll.u32 s28, $0x1;
	[dreg:$0x2] =	wrdreg s4  }
0xaf: {  	[dreg:$0x3] =	wrdreg s6  }
0xb0: {  	[dreg:$0x4] =	wrdreg $0xC0  }
0xb1: {  	_ =	task [dreg:s8], $0x5FFFF  }
0xb2: {  	[dreg:$0x1] =	wrdreg $0xFFFFFFFF  }
0xb3: {  	[dreg:$0x0] =	wrdreg $0x60  }
0xb4: {  	[dreg:$0x2] =	wrdreg s15  }
0xb5: {  	[dreg:$0x3] =	wrdreg s16  }
0xb6: {  	[dreg:$0x4] =	wrdreg s24  }
0xb7: {  	[dreg:$0x5] =	wrdreg $0x9  }
0xb8: {  	_ =	task.clear_ibuf [dreg:s8], $0x6FFFF;
	_ =	strace $0x90000046  }
0xb9: {  	s29 =	simm.s32 $0x9;
	_ =	strace $0x80000048  }
0xba: {  	_ =	swait.ge [sflag:s29], $0x1  }
0xbb: {  	[sflag:s29] =	ssyncadd.s32 $0xFFFFFFFF  }
0xbc: {  	_ =	strace $0x90000048  }
0xbd: {  	_ =	sfence  }
0xbe: {  	s30 =	sld [smem:$0x0];
	_ =	sdelay $0x2  }
0xbf: {  	s31 =	sshll.u32 s1, $0xD;
	s1 =	sshrl.u32 s1, $0x2  }
0xc0: {  	s3 =	sand.u32 $0x4000, s31;
	s1 =	sadd.s32 s1, s30  }
0xc1: {  	s0 =	sor.u32 s3, s0;
	s1 =	sshll.u32 s1, $0x11  }
0xc2: {  	s0 =	sor.u32 s1, s0  }
0xc3: {  	s0 =	sadd.s32 $0x8F2B, s0  }
0xc4: {  	[sflag:s0] =	ssyncadd.remote.s32 $0x1  }
0xc5: {  	_ =	sfence.sel $0xFFFF  }
0xc6: {  	[dreg:$0x0] =	wrdreg $0xFFFFFFFF;
	(pc) =	sbr.abs _section_cstart, $3  }
0xc7: {  	[dreg:$0x1] =	wrdreg $0xFFFFFFFF  }
0xc8: {  	_ =	task.clear_ibuf [dreg:s8], $0x2FFFF;
	_ =	strace $0x9FFFFFFF  }
0xc9: {  	(tm) =	ssettm $0x7FFFFFFF  }
tec
execute0_lowered:
.L_overlay_start_1:
0x0: {  	(tag) =	ssettag $0x1  }
0x1: {  	s1 =	rddreg [dreg:$0x0]  }
0x2: {  	s3 =	rddreg [dreg:$0x1];
	s2 =	srdreg.scid  }
0x3: {  	s0 =	stileid.u32;
	s5 =	rddreg [dreg:$0x2];
	s8 =	simm.s32 $0x80  }
0x4: {  	s26 =	simm.s32 $0x880;
	s9 =	simm.s32 $0x1080;
	s10 =	simm.s32 $0x1880  }
0x5: {  	s11 =	simm.s32 $0x2080;
	s12 =	simm.s32 $0x2880;
	s13 =	simm.s32 $0x3080  }
0x6: {  	s14 =	simm.s32 $0x3880;
	s15 =	simm.s32 $0x4080;
	s16 =	simm.s32 $0x4880  }
0x7: {  	s17 =	simm.s32 $0x5080;
	s18 =	simm.s32 $0x5880;
	s19 =	simm.s32 $0x6080  }
0x8: {  	s20 =	simm.s32 $0x6880;
	s21 =	simm.s32 $0x7080;
	s22 =	simm.s32 $0x7880  }
0x9: {  	s23 =	simm.s32 $0x8080;
	s28 =	simm.s32 $0xA080;
	s29 =	simm.s32 $0xA880  }
0xa: {  	s30 =	simm.s32 $0xB080;
	s4 =	sand.u32 $0x1, s2;
	s6 =	sshll.u32 s0, $0x1  }
0xb: {  	s31 =	simm.s32 $0xB880;
	s2 =	simm.s32 $0x0;
	s6 =	sor.u32 s4, s6  }
0xc: {  	[smem:$0x7FF] =	sst s2;
	s4 =	ssub.s32 $0x2, s4;
	s7 =	sshll.u32 s6, $0x4  }
0xd: {  	s6 =	smul.u32 $0x1800, s6;
	_ =	strace $0x80000047;
	s24 =	sshrl.u32 s4, $0x1  }
0xe: {  	[dreg:$0x6] =	wrdreg s26;
	s26 =	simm.s32 $0x9880;
	s3 =	sadd.s32 s3, s7  }
0xf: {  	s25 =	ssub.s32 s4, s24;
	s4 =	sadd.s32 $0x2900, s5;
	s7 =	simm.s32 $0x2  }
0x10: {  	v2 =	vlaneseq.u32;
	s24 =	simm.s32 $0x8880;
	[dreg:$0x4] =	wrdreg s3;
	s1 =	sadd.s32 s1, s6  }
0x11: {  	vm0 =	vmmov $0xffff;
	v1 =	vshrl.u32 v2, $0x3;
	s3 =	sadd.s32 $0x2800, s5;
	s5 =	sadd.s32 $0x2A00, s5;
	s6 =	smax.u32 s25, $0x1  }
0x12: {  	v0 =	vand.u32 $0x7, v2;
	v2 =	vor.u32 $0x8, v2;
	v1 =	vmul.u32 $0x8, v1;
	s25 =	simm.s32 $0x9080;
	[dreg:$0x5] =	wrdreg s1;
	s1 =	simm.s32 $0x1  }
.LBB2_1:
0x13: {  	s0 =	rddreg [dreg:$0x4]  }
0x14: {  	[tilespmem:s2], [sflag:$0x2] =	stream.linear.gather [hbm4b:s0+s2], $0x80, $0x38;
	[tilespmem:$0xC080] =	vst v63  }
0x15: {  	_ =	swait.ge [sflag:s7], $0x80  }
0x16: {  	[sflag:s7] =	ssyncset.done $0x0  }
0x17: {  	s0 =	rddreg [dreg:$0x5];
	[sflag:s7] =	ssyncadd.s32 $0xFFFFFF80  }
0x18: {  	[tilespmem:s8], [sflag:$0x2] =	stream.linear.gather [hbm4b:s0+s2], $0xC000, $0x38;
	[tilespmem:$0xC080] =	vst v63  }
0x19: {  	_ =	swait.ge [sflag:s7], $0xC000  }
0x1a: {  	[sflag:s7] =	ssyncset.done $0x0  }
0x1b: {  	[sflag:s7] =	ssyncadd.s32 $0xFFFF4000  }
0x1c: {  	v3 =	vld [tilespmem:$0x0];
	_ =	sdelay $0x4  }
0x1d: {  	v4 =	vshrl.u32 v3, $0x3  }
0x1e: {  	v4 =	vmul.u32 $0x30, v4  }
0x1f: {  	v3 =	vand.u32 $0x7, v3  }
0x20: {  	v3 =	vor.u32 v3, v4  }
0x21: {  	v4 =	vperm.xlane v3, v0;
	_ =	sdelay $0x1  }
0x22: {  	v4 =	vadd.s32 v1, v4;
	_ =	sdelay $0x3  }
0x23: {  	v3 =	vperm.xlane v3, v2  }
0x24: {  	[hbm4b:s3+s2] =	stream.indirect_vreg.scatter [tilespmem:s8], [sflag:$0x1], $0x80, v4, vm0, $0xb8;
	[tilespmem:$0xC080] =	vst v63  }
0x25: {  	s0 =	rddreg [dreg:$0x6];
	v3 =	vadd.s32 v1, v3  }
0x26: {  	[hbm4b:s4+s2] =	stream.indirect_vreg.scatter [tilespmem:s0], [sflag:$0x1], $0x80, v4, vm0, $0xb8;
	[tilespmem:$0xC080] =	vst v63  }
0x27: {  	_ = 	snop  }
0x28: {  	[hbm4b:s5+s2] =	stream.indirect_vreg.scatter [tilespmem:s9], [sflag:$0x1], $0x80, v4, vm0, $0xb8;
	[tilespmem:$0xC080] =	vst v63  }
0x29: {  	_ = 	snop  }
0x2a: {  	[hbm4b:s3+s2] =	stream.indirect_vreg.scatter [tilespmem:s10], [sflag:$0x1], $0x80, v3, vm0, $0xb8;
	[tilespmem:$0xC080] =	vst v63  }
0x2b: {  	_ = 	snop  }
0x2c: {  	[hbm4b:s4+s2] =	stream.indirect_vreg.scatter [tilespmem:s11], [sflag:$0x1], $0x80, v3, vm0, $0xb8;
	[tilespmem:$0xC080] =	vst v63  }
0x2d: {  	_ = 	snop  }
0x2e: {  	[hbm4b:s5+s2] =	stream.indirect_vreg.scatter [tilespmem:s12], [sflag:$0x1], $0x80, v3, vm0, $0xb8;
	[tilespmem:$0xC080] =	vst v63  }
0x2f: {  	v3 =	vld [tilespmem:$0x10];
	_ =	sdelay $0x4  }
0x30: {  	v61 =	vshrl.u32 v3, $0x3  }
0x31: {  	v4 =	vmul.u32 $0x30, v61  }
0x32: {  	v3 =	vand.u32 $0x7, v3  }
0x33: {  	v3 =	vor.u32 v3, v4  }
0x34: {  	v4 =	vperm.xlane v3, v0;
	_ =	sdelay $0x1  }
0x35: {  	v4 =	vadd.s32 v1, v4;
	_ =	sdelay $0x3  }
0x36: {  	v3 =	vperm.xlane v3, v2  }
0x37: {  	[hbm4b:s3+s2] =	stream.indirect_vreg.scatter [tilespmem:s13], [sflag:$0x1], $0x80, v4, vm0, $0xb8;
	[tilespmem:$0xC080] =	vst v63  }
0x38: {  	v3 =	vadd.s32 v1, v3  }
0x39: {  	[hbm4b:s4+s2] =	stream.indirect_vreg.scatter [tilespmem:s14], [sflag:$0x1], $0x80, v4, vm0, $0xb8;
	[tilespmem:$0xC080] =	vst v63  }
0x3a: {  	_ = 	snop  }
0x3b: {  	[hbm4b:s5+s2] =	stream.indirect_vreg.scatter [tilespmem:s15], [sflag:$0x1], $0x80, v4, vm0, $0xb8;
	[tilespmem:$0xC080] =	vst v63  }
0x3c: {  	_ = 	snop  }
0x3d: {  	[hbm4b:s3+s2] =	stream.indirect_vreg.scatter [tilespmem:s16], [sflag:$0x1], $0x80, v3, vm0, $0xb8;
	[tilespmem:$0xC080] =	vst v63  }
0x3e: {  	_ = 	snop  }
0x3f: {  	[hbm4b:s4+s2] =	stream.indirect_vreg.scatter [tilespmem:s17], [sflag:$0x1], $0x80, v3, vm0, $0xb8;
	[tilespmem:$0xC080] =	vst v63  }
0x40: {  	_ = 	snop  }
0x41: {  	[hbm4b:s5+s2] =	stream.indirect_vreg.scatter [tilespmem:s18], [sflag:$0x1], $0x80, v3, vm0, $0xb8;
	[tilespmem:$0xC080] =	vst v63  }
0x42: {  	v3 =	vld [tilespmem:$0x20];
	_ =	sdelay $0x4  }
0x43: {  	v62 =	vshrl.u32 v3, $0x3  }
0x44: {  	v4 =	vmul.u32 $0x30, v62  }
0x45: {  	v3 =	vand.u32 $0x7, v3  }
0x46: {  	v3 =	vor.u32 v3, v4  }
0x47: {  	v4 =	vperm.xlane v3, v0;
	_ =	sdelay $0x1  }
0x48: {  	v4 =	vadd.s32 v1, v4;
	_ =	sdelay $0x3  }
0x49: {  	v3 =	vperm.xlane v3, v2  }
0x4a: {  	[hbm4b:s3+s2] =	stream.indirect_vreg.scatter [tilespmem:s19], [sflag:$0x1], $0x80, v4, vm0, $0xb8;
	[tilespmem:$0xC080] =	vst v63  }
0x4b: {  	v3 =	vadd.s32 v1, v3  }
0x4c: {  	[hbm4b:s4+s2] =	stream.indirect_vreg.scatter [tilespmem:s20], [sflag:$0x1], $0x80, v4, vm0, $0xb8;
	[tilespmem:$0xC080] =	vst v63  }
0x4d: {  	_ = 	snop  }
0x4e: {  	[hbm4b:s5+s2] =	stream.indirect_vreg.scatter [tilespmem:s21], [sflag:$0x1], $0x80, v4, vm0, $0xb8;
	[tilespmem:$0xC080] =	vst v63  }
0x4f: {  	_ = 	snop  }
0x50: {  	[hbm4b:s3+s2] =	stream.indirect_vreg.scatter [tilespmem:s22], [sflag:$0x1], $0x80, v3, vm0, $0xb8;
	[tilespmem:$0xC080] =	vst v63  }
0x51: {  	_ = 	snop  }
0x52: {  	[hbm4b:s4+s2] =	stream.indirect_vreg.scatter [tilespmem:s23], [sflag:$0x1], $0x80, v3, vm0, $0xb8;
	[tilespmem:$0xC080] =	vst v63  }
0x53: {  	_ = 	snop  }
0x54: {  	[hbm4b:s5+s2] =	stream.indirect_vreg.scatter [tilespmem:s24], [sflag:$0x1], $0x80, v3, vm0, $0xb8;
	[tilespmem:$0xC080] =	vst v63  }
0x55: {  	v3 =	vld [tilespmem:$0x30];
	_ =	sdelay $0x4  }
0x56: {  	v63 =	vshrl.u32 v3, $0x3  }
0x57: {  	v4 =	vmul.u32 $0x30, v63  }
0x58: {  	v3 =	vand.u32 $0x7, v3  }
0x59: {  	v3 =	vor.u32 v3, v4  }
0x5a: {  	v4 =	vperm.xlane v3, v0;
	_ =	sdelay $0x1  }
0x5b: {  	v4 =	vadd.s32 v1, v4;
	_ =	sdelay $0x3  }
0x5c: {  	v3 =	vperm.xlane v3, v2  }
0x5d: {  	[hbm4b:s3+s2] =	stream.indirect_vreg.scatter [tilespmem:s25], [sflag:$0x1], $0x80, v4, vm0, $0xb8;
	[tilespmem:$0xC080] =	vst v63  }
0x5e: {  	v3 =	vadd.s32 v1, v3  }
0x5f: {  	[hbm4b:s4+s2] =	stream.indirect_vreg.scatter [tilespmem:s26], [sflag:$0x1], $0x80, v4, vm0, $0xb8;
	[tilespmem:$0xC080] =	vst v63  }
0x60: {  	_ = 	snop  }
0x61: {  	[hbm4b:s5+s2] =	stream.indirect_vreg.scatter [tilespmem:s28], [sflag:$0x1], $0x80, v4, vm0, $0xb8;
	[tilespmem:$0xC080] =	vst v63  }
0x62: {  	_ = 	snop  }
0x63: {  	[hbm4b:s3+s2] =	stream.indirect_vreg.scatter [tilespmem:s29], [sflag:$0x1], $0x80, v3, vm0, $0xb8;
	[tilespmem:$0xC080] =	vst v63  }
0x64: {  	p0 =	sne.s32 s6, $0x1  }
0x65: {  	[hbm4b:s4+s2] =	stream.indirect_vreg.scatter [tilespmem:s30], [sflag:$0x1], $0x80, v3, vm0, $0xb8;
	[tilespmem:$0xC080] =	vst v63  }
.Ltmp0:
0x66: {  	_ = 	snop;
	(pc) =	sbr.rel @p0 .LBB2_1-.Ltmp0, $4  }
0x67: {  	[hbm4b:s5+s2] =	stream.indirect_vreg.scatter [tilespmem:s31], [sflag:$0x1], $0x80, v3, vm0, $0xb8;
	[tilespmem:$0xC080] =	vst v63  }
0x68: {  	_ =	swait.ge [sflag:s1], $0xC000  }
0x69: {  	[sflag:s1] =	ssyncset.done $0x0  }
0x6a: {  	s6 =	sadd.s32 $0xFFFFFFFF, s6;
	[sflag:s1] =	ssyncadd.s32 $0xFFFF4000  }
0x6b: {  	_ =	sfence.sel $0x180000  }
0x6c: {  	[bflag:$0x0] =	sbarrier.arrive $0xFFFF  }
0x6d: {  	_ =	strace $0x90000047  }
0x6e: {  	s0 =	stileid.u32;
	[bflag:$0x2] =	sbarrier.arrive $0xFFFF  }
0x6f: {  	p0 =	sne.s32 s0, $0x0;
	s0 =	rddreg [dreg:$0x3]  }
0x70: {  	s0 =	sadd.s32 @!p0 $0x100000, s0  }
0x71: {  	[sflag:s0] =	ssyncadd.tile.s32 @!p0 $0x1;
	_ =	shalt  }
.Lfunc_end2:
_tile_overlayer_lowered:
.L_overlay_start_2:
0x72: {  	(tag) =	ssettag $0x2  }
0x73: {  	s0 =	rddreg [dreg:$0x0];
	s2 =	stileid.u32  }
0x74: {  	s1 =	rddreg [dreg:$0x1];
	p0 =	sne.s32 s2, $0x0  }
0x75: {  	s3 =	rddreg [dreg:$0x2];
	[bflag:$0x3] =	sbarrier.arrive $0xFFFF;
	s2 =	simm.s32 @!p0 $0x1C02  }
0x76: {  	[timem:s3], [sflag:s2] =	dma.local @!p0 [hbm:s0], s1  }
0x77: {  	s0 =	simm.s32 @!p0 $0x2  }
0x78: {  	_ =	swait.ge @!p0 [sflag:s0], s1  }
0x79: {  	s1 =	ssub.s32 @!p0 $0x0, s1;
	[sflag:s0] =	ssyncset.done @!p0 $0x0  }
0x7a: {  	[sflag:s0] =	ssyncadd.s32 @!p0 s1  }
0x7b: {  	[bflag:$0x3] =	sbarrier.arrive $0xFFFF  }
0x7c: {  	_ =	shalt  }

// kernel: kernel.9.cloned.1.call-start
scs
__scs_entry_jumppad:
0x0: {  	(pc) =	sbr.rel $0x88, $3  }
0x1: {  	(tag) =	ssettag $0x0;
	lr =	simm.s32 $0x1  }
0x2: {  	[smem:$0x3F96] =	sst lr;
	_ =	strace $0xD0000000  }
0x3: {  	_ = 	snop  }
0x4: {  	_ = 	snop  }
0x5: {  	_ = 	snop  }
0x6: {  	_ = 	snop  }
0x7: {  	_ = 	snop  }
__scs_overlays_trampoline_lowered:
0x8: {  	[smem:$0x3FA5] =	sst s0  }
0x9: {  	[smem:$0x3FA6] =	sst s1  }
0xa: {  	[smem:$0x3FA7] =	sst s2  }
0xb: {  	[smem:$0x3FA8] =	sst s3  }
0xc: {  	[smem:$0x3FA9] =	sst s4  }
0xd: {  	[smem:$0x3FAA] =	sst s5  }
0xe: {  	[smem:$0x3FAB] =	sst s6  }
0xf: {  	[smem:$0x3FAC] =	sst s7  }
0x10: {  	[smem:$0x3FAD] =	sst s8  }
0x11: {  	[smem:$0x3FAE] =	sst s9;
	s0 =	simm.s32 @!p0 $0x0  }
0x12: {  	s1 =	sld [smem:$0x3F94];
	s0 =	simm.s32 @p0 $0x1  }
0x13: {  	[smem:$0x3FAF] =	sst s0;
	s0 =	simm.s32 @!p1 $0x0  }
0x14: {  	s2 =	sld [smem:$0x3F93];
	s0 =	simm.s32 @p1 $0x1  }
0x15: {  	[smem:$0x3FB0] =	sst s0;
	s0 =	simm.s32 @!p2 $0x0  }
0x16: {  	s3 =	sld [smem:$0x3FDB];
	s0 =	simm.s32 @p2 $0x1  }
0x17: {  	s4 =	simm.s32 $0x1BF5;
	[smem:$0x3FB2] =	sst s0  }
0x18: {  	s0 =	sld [smem:$0x3F95];
	_ =	swait.ge [sflag:s4], $0x0  }
0x19: {  	s7 =	sld [smem:$0x3F96]  }
0x1a: {  	s8 =	sadd.s32 $0xFFFFE003, lr  }
0x1b: {  	s9 =	sadd.s32 $0xFFFFFEF7, lr;
	s5 =	simm.s32 $0xFFFFFFFF;
	p2 =	slt.u32 s8, $0xFFFFF086  }
0x1c: {  	p1 =	slt.u32 s9, $0xF7A;
	s5 =	simm.s32 @!p2 $0x0  }
0x1d: {  	s5 =	simm.s32 @p1 $0x1;
	p0 =	seq.s32 s7, s2  }
0x1e: {  	s7 =	smul.u32 @!p0 $0xF7A, s2;
	p2 =	seq.s32 @!p0 s5, $0x0  }
0x1f: {  	s9 =	smul.u32 $0xF7A, s1;
	s8 =	simm.s32 @!p0 $0x1BF5;
	p2 =	por !p2, p0  }
0x20: {  	[sflag:s8] =	ssyncset.s32 @!p0 $0xFFFFF086;
	s6 =	sadd.s32 @!p0 s3, s7;
	s7 =	simm.s32 @!p0 $0x108  }
0x21: {  	s3 =	sadd.s32 s3, s9;
	s6 =	sadd.s32 @!p0 $0x88, s6;
	s7 =	simm.s32 @p2 $0x1082  }
0x22: {  	[simem:s7], [sflag:s8] =	dma.local @!p0 [hbm:s6], $0xF7A  }
0x23: {  	s9 =	sor.u32 $0xD0000000, s2;
	s6 =	simm.s32 $0x108;
	_ =	swait.ge @!p0 [sflag:s8], $0x0  }
0x24: {  	s3 =	sadd.s32 $0x88, s3;
	s6 =	simm.s32 @!p1 $0x1082;
	[sflag:s4] =	ssyncset.s32 $0xFFFFF086  }
0x25: {  	[simem:s6], [sflag:s4] =	dma.local [hbm:s3], $0xF7A  }
0x26: {  	[smem:$0x3F96] =	sst s1;
	(tag) =	ssettag s2;
	_ =	strace s9  }
0x27: {  	s1 =	sld [smem:$0x3FA6]  }
0x28: {  	s2 =	sld [smem:$0x3FA7]  }
0x29: {  	s4 =	sld [smem:$0x3FA9]  }
0x2a: {  	p0 =	seq.s32 s5, $0x0;
	s5 =	sld [smem:$0x3FAA]  }
0x2b: {  	s6 =	sld [smem:$0x3FAB]  }
0x2c: {  	s7 =	sld [smem:$0x3FAC]  }
0x2d: {  	s3 =	simm.s32 $0x108;
	s8 =	sld [smem:$0x3FAD]  }
0x2e: {  	s3 =	simm.s32 @!p0 $0x1082;
	s9 =	sld [smem:$0x3FAE]  }
0x2f: {  	lr =	sadd.s32 s0, s3;
	s0 =	sld [smem:$0x3FA5]  }
0x30: {  	s3 =	sld [smem:$0x3FA8]  }
0x31: {  	[smem:$0x3FB1] =	sst s10  }
0x32: {  	s10 =	sld [smem:$0x3FAF];
	_ =	sdelay $0x3  }
0x33: {  	p0 =	seq.s32 s10, $0x1;
	s10 =	sld [smem:$0x3FB1];
	_ =	sdelay $0x3  }
0x34: {  	[smem:$0x3FB1] =	sst s10  }
0x35: {  	s10 =	sld [smem:$0x3FB0];
	_ =	sdelay $0x3  }
0x36: {  	p1 =	seq.s32 s10, $0x1;
	s10 =	sld [smem:$0x3FB1];
	_ =	sdelay $0x3  }
0x37: {  	[smem:$0x3FB1] =	sst s10  }
0x38: {  	s10 =	sld [smem:$0x3FB2]  }
0x39: {  	_ = 	snop;
	(pc) =	sbr.ind lr, $3  }
0x3a: {  	_ = 	snop  }
0x3b: {  	_ = 	snop  }
0x3c: {  	p2 =	seq.s32 s10, $0x1;
	s10 =	sld [smem:$0x3FB1]  }
0x3d: {  	_ =	shalt  }
0x3e: {  	_ =	shalt  }
0x3f: {  	_ =	shalt  }
0x40: {  	_ =	shalt  }
0x41: {  	_ =	shalt  }
0x42: {  	_ =	shalt  }
0x43: {  	_ =	shalt  }
0x44: {  	_ =	shalt  }
0x45: {  	_ =	shalt  }
0x46: {  	_ =	shalt  }
0x47: {  	_ =	shalt  }
0x48: {  	_ =	shalt  }
0x49: {  	_ =	shalt  }
0x4a: {  	_ =	shalt  }
0x4b: {  	_ =	shalt  }
0x4c: {  	_ =	shalt  }
0x4d: {  	_ =	shalt  }
0x4e: {  	_ =	shalt  }
0x4f: {  	_ =	shalt  }
0x50: {  	_ =	shalt  }
0x51: {  	_ =	shalt  }
0x52: {  	_ =	shalt  }
0x53: {  	_ =	shalt  }
0x54: {  	_ =	shalt  }
0x55: {  	_ =	shalt  }
0x56: {  	_ =	shalt  }
0x57: {  	_ =	shalt  }
0x58: {  	_ =	shalt  }
0x59: {  	_ =	shalt  }
0x5a: {  	_ =	shalt  }
0x5b: {  	_ =	shalt  }
0x5c: {  	_ =	shalt  }
0x5d: {  	_ =	shalt  }
0x5e: {  	_ =	shalt  }
0x5f: {  	_ =	shalt  }
0x60: {  	_ =	shalt  }
0x61: {  	_ =	shalt  }
0x62: {  	_ =	shalt  }
0x63: {  	_ =	shalt  }
0x64: {  	_ =	shalt  }
0x65: {  	_ =	shalt  }
0x66: {  	_ =	shalt  }
0x67: {  	_ =	shalt  }
0x68: {  	_ =	shalt  }
0x69: {  	_ =	shalt  }
0x6a: {  	_ =	shalt  }
0x6b: {  	_ =	shalt  }
0x6c: {  	_ =	shalt  }
0x6d: {  	_ =	shalt  }
0x6e: {  	_ =	shalt  }
0x6f: {  	_ =	shalt  }
0x70: {  	_ =	shalt  }
0x71: {  	_ =	shalt  }
0x72: {  	_ =	shalt  }
0x73: {  	_ =	shalt  }
0x74: {  	_ =	shalt  }
0x75: {  	_ =	shalt  }
0x76: {  	_ =	shalt  }
0x77: {  	_ =	shalt  }
0x78: {  	_ =	shalt  }
0x79: {  	_ =	shalt  }
0x7a: {  	_ =	shalt  }
0x7b: {  	_ =	shalt  }
0x7c: {  	_ =	shalt  }
0x7d: {  	_ =	shalt  }
0x7e: {  	_ =	shalt  }
0x7f: {  	_ =	shalt  }
0x80: {  	_ =	shalt  }
0x81: {  	_ =	shalt  }
0x82: {  	_ =	shalt  }
0x83: {  	_ =	shalt  }
0x84: {  	_ =	shalt  }
0x85: {  	_ =	shalt  }
0x86: {  	_ =	shalt  }
0x87: {  	_ =	shalt  }
.Lfunc_end0:
.L_simem_size_0:
called_computation.1_lowered:
.L_overlay_start_0:
0x88: {  	s2 =	sld [smem:$0x3FD9]  }
0x89: {  	s3 =	sld [smem:$0x3FFE];
	_ =	sdelay $0x1  }
0x8a: {  	s1 =	srdreg.scid  }
0x8b: {  	s0 =	sand.u32 $0x1, s1  }
0x8c: {  	s14 =	sshll.u32 s0, $0xA;
	s2 =	sadd.s32 s3, s2  }
0x8d: {  	s2 =	sadd.s32 s2, s14  }
0x8e: {  	[smem:$0x3FBD] =	sst s2  }
0x8f: {  	_ = 	snop  }
0x90: {  	s2 =	sld [smem:$0x3FD0];
	_ =	sdelay $0x2  }
0x91: {  	s15 =	simm.s32 $0xA;
	s4 =	simm.s32 $0x10  }
0x92: {  	[smem:s4], [sflag:s15] =	dma.local [hbm:s2], $0x1  }
0x93: {  	_ =	swait.eq [sflag:s15], $0x1  }
0x94: {  	[sflag:s15] =	ssyncset.done $0x0  }
0x95: {  	[sflag:s15] =	ssyncadd.s32 $0xFFFFFFFF  }
0x96: {  	s16 =	sld [smem:$0x10];
	(tm) =	ssettm $0x1  }
0x97: {  	s17 =	sld [smem:$0x3FFB];
	_ =	sdelay $0x3  }
0x98: {  	_ =	strace s17  }
0x99: {  	s3 =	sld [smem:$0x3FFC];
	_ =	sdelay $0x3  }
0x9a: {  	_ =	strace s3  }
0x9b: {  	s3 =	sld [smem:$0x3FFD];
	_ =	sdelay $0x3  }
0x9c: {  	_ =	strace s3  }
0x9d: {  	_ =	strace $0x8FFFFFFF  }
0x9e: {  	s18 =	sld [smem:$0x3FDB];
	_ =	sdelay $0x1  }
0x9f: {  	s19 =	simm.s32 $_scs_section_size  }
0xa0: {  	s5 =	simm.s32 $_size__tile_overlayer_lowered;
	s6 =	simm.s32 $_tile_overlayer_lowered  }
0xa1: {  	s22 =	simm.s32 $0x1BFF;
	s21 =	sshll.u32 s6, $0x1;
	s3 =	sadd.s32 s19, s18  }
0xa2: {  	s7 =	simm.s32 $0x0;
	s20 =	sshll.u32 s5, $0x1;
	s5 =	sadd.s32 s21, s3  }
0xa3: {  	[timem:s7], [sflag:s22] =	dma.local [hbm:s5], s20  }
0xa4: {  	_ =	swait.ge [sflag:s22], s20  }
0xa5: {  	s4 =	ssub.s32 $0x0, s20;
	[sflag:s22] =	ssyncset.done $0x0  }
0xa6: {  	[sflag:s22] =	ssyncadd.s32 s4;
	_ =	sdelay $0x1  }
0xa7: {  	s23 =	simm.s32 $0x1B8B  }
0xa8: {  	_ =	swait.ge [sflag:s23], $0x1  }
0xa9: {  	[sflag:s23] =	ssyncset.done $0x0  }
0xaa: {  	s25 =	simm.s32 $0x1B8E;
	s24 =	sld [smem:$0x3FFE];
	[sflag:s23] =	ssyncadd.s32 $0xFFFFFFFF  }
0xab: {  	s26 =	simm.s32 $execute0_lowered;
	[smem:$0x3FD2] =	sst s25  }
0xac: {  	s5 =	sshll.u32 s26, $0x1;
	_ =	strace $0x80000049;
	[dreg:$0x1] =	wrdreg $0xFFFFFFFF  }
0xad: {  	s28 =	simm.s32 $_size_execute0_lowered;
	s3 =	sadd.s32 s3, s5;
	[dreg:$0x0] =	wrdreg $0x0  }
0xae: {  	s5 =	sshll.u32 s28, $0x1;
	[dreg:$0x2] =	wrdreg s3  }
0xaf: {  	[dreg:$0x3] =	wrdreg s5  }
0xb0: {  	[dreg:$0x4] =	wrdreg $0xC0  }
0xb1: {  	_ =	task [dreg:s7], $0x5FFFF  }
0xb2: {  	[dreg:$0x1] =	wrdreg $0xFFFFFFFF  }
0xb3: {  	[dreg:$0x0] =	wrdreg $0x60  }
0xb4: {  	[dreg:$0x2] =	wrdreg s24  }
0xb5: {  	[dreg:$0x3] =	wrdreg s16  }
0xb6: {  	[dreg:$0x4] =	wrdreg $0x9  }
0xb7: {  	_ =	task.clear_ibuf [dreg:s7], $0x5FFFF;
	_ =	strace $0x90000049  }
0xb8: {  	s29 =	simm.s32 $0x9;
	_ =	strace $0x8000004B  }
0xb9: {  	_ =	swait.ge [sflag:s29], $0x1  }
0xba: {  	[sflag:s29] =	ssyncadd.s32 $0xFFFFFFFF  }
0xbb: {  	_ =	strace $0x9000004B  }
0xbc: {  	_ =	sfence  }
0xbd: {  	s30 =	sld [smem:$0x0];
	_ =	sdelay $0x2  }
0xbe: {  	s31 =	sshll.u32 s1, $0xD;
	s1 =	sshrl.u32 s1, $0x2  }
0xbf: {  	s3 =	sand.u32 $0x4000, s31;
	s1 =	sadd.s32 s1, s30  }
0xc0: {  	s0 =	sor.u32 s3, s0;
	s1 =	sshll.u32 s1, $0x11  }
0xc1: {  	s0 =	sor.u32 s1, s0  }
0xc2: {  	s0 =	sadd.s32 $0x8F2B, s0  }
0xc3: {  	[sflag:s0] =	ssyncadd.remote.s32 $0x1  }
0xc4: {  	_ =	sfence.sel $0xFFFF  }
0xc5: {  	[dreg:$0x0] =	wrdreg $0xFFFFFFFF;
	(pc) =	sbr.abs _section_cstart, $3  }
0xc6: {  	[dreg:$0x1] =	wrdreg $0xFFFFFFFF  }
0xc7: {  	_ =	task.clear_ibuf [dreg:s7], $0x2FFFF;
	_ =	strace $0x9FFFFFFF  }
0xc8: {  	(tm) =	ssettm $0x7FFFFFFF  }
0xc9: {  	_ =	shalt  }
tec
execute0_lowered:
.L_overlay_start_1:
0x0: {  	(tag) =	ssettag $0x1  }
0x1: {  	s0 =	rddreg [dreg:$0x0]  }
0x2: {  	s5 =	rddreg [dreg:$0x1];
	s3 =	srdreg.scid  }
0x3: {  	s2 =	simm.s32 $0x0;
	s1 =	stileid.u32;
	s26 =	simm.s32 $0x880  }
0x4: {  	s10 =	simm.s32 $0x1880;
	s11 =	simm.s32 $0x2080;
	s12 =	simm.s32 $0x2880  }
0x5: {  	s13 =	simm.s32 $0x3080;
	s14 =	simm.s32 $0x3880;
	s15 =	simm.s32 $0x4080  }
0x6: {  	s16 =	simm.s32 $0x4880;
	s17 =	simm.s32 $0x5080;
	s18 =	simm.s32 $0x5880  }
0x7: {  	s19 =	simm.s32 $0x6080;
	s20 =	simm.s32 $0x6880;
	s21 =	simm.s32 $0x7080  }
0x8: {  	s22 =	simm.s32 $0x7880;
	s28 =	simm.s32 $0xA080;
	s29 =	simm.s32 $0xA880  }
0x9: {  	s30 =	simm.s32 $0xB080;
	s31 =	simm.s32 $0xB880;
	s3 =	sand.u32 $0x1, s3  }
0xa: {  	[smem:$0x7FF] =	sst s2;
	s4 =	sshll.u32 s1, $0x4;
	s6 =	sshll.u32 s3, $0x3  }
0xb: {  	_ =	strace $0x8000004A;
	s23 =	ssub.s32 $0x2, s3;
	s3 =	sadd.s32 $0x2800, s0  }
0xc: {  	[dreg:$0x5] =	wrdreg s26;
	s26 =	simm.s32 $0x9880;
	s4 =	sor.u32 s6, s4  }
0xd: {  	s8 =	sshrl.u32 s23, $0x1;
	s7 =	sadd.s32 s4, s0;
	s9 =	smul.u32 $0x300, s4  }
0xe: {  	s6 =	ssub.s32 s23, s8;
	s4 =	sadd.s32 $0x2900, s0;
	s8 =	simm.s32 $0x80  }
0xf: {  	s23 =	simm.s32 $0x8080;
	s24 =	sadd.s32 $0x2600, s7;
	s6 =	smax.u32 s6, $0x1  }
0x10: {  	v2 =	vlaneseq.u32;
	s7 =	simm.s32 $0x2;
	[dreg:$0x3] =	wrdreg s24;
	s25 =	sadd.s32 s5, s9  }
0x11: {  	vm0 =	vmmov $0xffff;
	v1 =	vshrl.u32 v2, $0x3;
	s5 =	sadd.s32 $0x2A00, s0;
	s9 =	simm.s32 $0x1080;
	s24 =	simm.s32 $0x8880  }
0x12: {  	v0 =	vand.u32 $0x7, v2;
	v2 =	vor.u32 $0x8, v2;
	v1 =	vmul.u32 $0x8, v1;
	s0 =	simm.s32 $0x1;
	[dreg:$0x4] =	wrdreg s25;
	s25 =	simm.s32 $0x9080  }
.LBB2_1:
0x13: {  	s1 =	rddreg [dreg:$0x3]  }
0x14: {  	[tilespmem:s2], [sflag:$0x2] =	stream.linear.gather [hbm4b:s1+s2], $0x40, $0x38;
	[tilespmem:$0xC080] =	vst v63  }
0x15: {  	_ =	swait.ge [sflag:s7], $0x40  }
0x16: {  	[sflag:s7] =	ssyncset.done $0x0  }
0x17: {  	[sflag:s7] =	ssyncadd.s32 $0xFFFFFFC0  }
0x18: {  	v3 =	vld [tilespmem:$0x0];
	_ =	sdelay $0x4  }
0x19: {  	v4 =	vshrl.u32 v3, $0x3  }
0x1a: {  	v4 =	vmul.u32 $0x30, v4  }
0x1b: {  	v3 =	vand.u32 $0x7, v3  }
0x1c: {  	v3 =	vor.u32 v3, v4  }
0x1d: {  	v4 =	vperm.xlane v3, v0;
	_ =	sdelay $0x1  }
0x1e: {  	v4 =	vadd.s32 v1, v4;
	_ =	sdelay $0x3  }
0x1f: {  	v3 =	vperm.xlane v3, v2  }
0x20: {  	[tilespmem:s8], [sflag:$0x1] =	stream.indirect_vreg.gather [hbm4b:s3+s2], $0x80, v4, vm0, $0xb8;
	[tilespmem:$0xC080] =	vst v63  }
0x21: {  	s1 =	rddreg [dreg:$0x5];
	v3 =	vadd.s32 v1, v3  }
0x22: {  	[tilespmem:s1], [sflag:$0x1] =	stream.indirect_vreg.gather [hbm4b:s4+s2], $0x80, v4, vm0, $0xb8;
	[tilespmem:$0xC080] =	vst v63  }
0x23: {  	_ = 	snop  }
0x24: {  	[tilespmem:s9], [sflag:$0x1] =	stream.indirect_vreg.gather [hbm4b:s5+s2], $0x80, v4, vm0, $0xb8;
	[tilespmem:$0xC080] =	vst v63  }
0x25: {  	_ = 	snop  }
0x26: {  	[tilespmem:s10], [sflag:$0x1] =	stream.indirect_vreg.gather [hbm4b:s3+s2], $0x80, v3, vm0, $0xb8;
	[tilespmem:$0xC080] =	vst v63  }
0x27: {  	_ = 	snop  }
0x28: {  	[tilespmem:s11], [sflag:$0x1] =	stream.indirect_vreg.gather [hbm4b:s4+s2], $0x80, v3, vm0, $0xb8;
	[tilespmem:$0xC080] =	vst v63  }
0x29: {  	_ = 	snop  }
0x2a: {  	[tilespmem:s12], [sflag:$0x1] =	stream.indirect_vreg.gather [hbm4b:s5+s2], $0x80, v3, vm0, $0xb8;
	[tilespmem:$0xC080] =	vst v63  }
0x2b: {  	v3 =	vld [tilespmem:$0x10];
	_ =	sdelay $0x4  }
0x2c: {  	v61 =	vshrl.u32 v3, $0x3  }
0x2d: {  	v4 =	vmul.u32 $0x30, v61  }
0x2e: {  	v3 =	vand.u32 $0x7, v3  }
0x2f: {  	v3 =	vor.u32 v3, v4  }
0x30: {  	v4 =	vperm.xlane v3, v0;
	_ =	sdelay $0x1  }
0x31: {  	v4 =	vadd.s32 v1, v4;
	_ =	sdelay $0x3  }
0x32: {  	v3 =	vperm.xlane v3, v2  }
0x33: {  	[tilespmem:s13], [sflag:$0x1] =	stream.indirect_vreg.gather [hbm4b:s3+s2], $0x80, v4, vm0, $0xb8;
	[tilespmem:$0xC080] =	vst v63  }
0x34: {  	v3 =	vadd.s32 v1, v3  }
0x35: {  	[tilespmem:s14], [sflag:$0x1] =	stream.indirect_vreg.gather [hbm4b:s4+s2], $0x80, v4, vm0, $0xb8;
	[tilespmem:$0xC080] =	vst v63  }
0x36: {  	_ = 	snop  }
0x37: {  	[tilespmem:s15], [sflag:$0x1] =	stream.indirect_vreg.gather [hbm4b:s5+s2], $0x80, v4, vm0, $0xb8;
	[tilespmem:$0xC080] =	vst v63  }
0x38: {  	_ = 	snop  }
0x39: {  	[tilespmem:s16], [sflag:$0x1] =	stream.indirect_vreg.gather [hbm4b:s3+s2], $0x80, v3, vm0, $0xb8;
	[tilespmem:$0xC080] =	vst v63  }
0x3a: {  	_ = 	snop  }
0x3b: {  	[tilespmem:s17], [sflag:$0x1] =	stream.indirect_vreg.gather [hbm4b:s4+s2], $0x80, v3, vm0, $0xb8;
	[tilespmem:$0xC080] =	vst v63  }
0x3c: {  	_ = 	snop  }
0x3d: {  	[tilespmem:s18], [sflag:$0x1] =	stream.indirect_vreg.gather [hbm4b:s5+s2], $0x80, v3, vm0, $0xb8;
	[tilespmem:$0xC080] =	vst v63  }
0x3e: {  	v3 =	vld [tilespmem:$0x20];
	_ =	sdelay $0x4  }
0x3f: {  	v62 =	vshrl.u32 v3, $0x3  }
0x40: {  	v4 =	vmul.u32 $0x30, v62  }
0x41: {  	v3 =	vand.u32 $0x7, v3  }
0x42: {  	v3 =	vor.u32 v3, v4  }
0x43: {  	v4 =	vperm.xlane v3, v0;
	_ =	sdelay $0x1  }
0x44: {  	v4 =	vadd.s32 v1, v4;
	_ =	sdelay $0x3  }
0x45: {  	v3 =	vperm.xlane v3, v2  }
0x46: {  	[tilespmem:s19], [sflag:$0x1] =	stream.indirect_vreg.gather [hbm4b:s3+s2], $0x80, v4, vm0, $0xb8;
	[tilespmem:$0xC080] =	vst v63  }
0x47: {  	v3 =	vadd.s32 v1, v3  }
0x48: {  	[tilespmem:s20], [sflag:$0x1] =	stream.indirect_vreg.gather [hbm4b:s4+s2], $0x80, v4, vm0, $0xb8;
	[tilespmem:$0xC080] =	vst v63  }
0x49: {  	_ = 	snop  }
0x4a: {  	[tilespmem:s21], [sflag:$0x1] =	stream.indirect_vreg.gather [hbm4b:s5+s2], $0x80, v4, vm0, $0xb8;
	[tilespmem:$0xC080] =	vst v63  }
0x4b: {  	_ = 	snop  }
0x4c: {  	[tilespmem:s22], [sflag:$0x1] =	stream.indirect_vreg.gather [hbm4b:s3+s2], $0x80, v3, vm0, $0xb8;
	[tilespmem:$0xC080] =	vst v63  }
0x4d: {  	_ = 	snop  }
0x4e: {  	[tilespmem:s23], [sflag:$0x1] =	stream.indirect_vreg.gather [hbm4b:s4+s2], $0x80, v3, vm0, $0xb8;
	[tilespmem:$0xC080] =	vst v63  }
0x4f: {  	_ = 	snop  }
0x50: {  	[tilespmem:s24], [sflag:$0x1] =	stream.indirect_vreg.gather [hbm4b:s5+s2], $0x80, v3, vm0, $0xb8;
	[tilespmem:$0xC080] =	vst v63  }
0x51: {  	v3 =	vld [tilespmem:$0x30];
	_ =	sdelay $0x4  }
0x52: {  	v63 =	vshrl.u32 v3, $0x3  }
0x53: {  	v4 =	vmul.u32 $0x30, v63  }
0x54: {  	v3 =	vand.u32 $0x7, v3  }
0x55: {  	v3 =	vor.u32 v3, v4  }
0x56: {  	v4 =	vperm.xlane v3, v0;
	_ =	sdelay $0x1  }
0x57: {  	v4 =	vadd.s32 v1, v4;
	_ =	sdelay $0x3  }
0x58: {  	v3 =	vperm.xlane v3, v2  }
0x59: {  	[tilespmem:s25], [sflag:$0x1] =	stream.indirect_vreg.gather [hbm4b:s3+s2], $0x80, v4, vm0, $0xb8;
	[tilespmem:$0xC080] =	vst v63  }
0x5a: {  	v3 =	vadd.s32 v1, v3  }
0x5b: {  	[tilespmem:s26], [sflag:$0x1] =	stream.indirect_vreg.gather [hbm4b:s4+s2], $0x80, v4, vm0, $0xb8;
	[tilespmem:$0xC080] =	vst v63  }
0x5c: {  	_ = 	snop  }
0x5d: {  	[tilespmem:s28], [sflag:$0x1] =	stream.indirect_vreg.gather [hbm4b:s5+s2], $0x80, v4, vm0, $0xb8;
	[tilespmem:$0xC080] =	vst v63  }
0x5e: {  	_ = 	snop  }
0x5f: {  	[tilespmem:s29], [sflag:$0x1] =	stream.indirect_vreg.gather [hbm4b:s3+s2], $0x80, v3, vm0, $0xb8;
	[tilespmem:$0xC080] =	vst v63  }
0x60: {  	_ = 	snop  }
0x61: {  	[tilespmem:s30], [sflag:$0x1] =	stream.indirect_vreg.gather [hbm4b:s4+s2], $0x80, v3, vm0, $0xb8;
	[tilespmem:$0xC080] =	vst v63  }
0x62: {  	_ = 	snop  }
0x63: {  	[tilespmem:s31], [sflag:$0x1] =	stream.indirect_vreg.gather [hbm4b:s5+s2], $0x80, v3, vm0, $0xb8;
	[tilespmem:$0xC080] =	vst v63  }
0x64: {  	_ =	swait.ge [sflag:s0], $0xC000  }
0x65: {  	p0 =	sne.s32 s6, $0x1;
	[sflag:s0] =	ssyncset.done $0x0  }
.Ltmp0:
0x66: {  	s1 =	rddreg [dreg:$0x4];
	[sflag:s0] =	ssyncadd.s32 $0xFFFF4000;
	(pc) =	sbr.rel @p0 .LBB2_1-.Ltmp0, $4  }
0x67: {  	[hbm4b:s1+s2] =	stream.linear.scatter [tilespmem:s8], [sflag:$0x2], $0xC000, $0x38;
	[tilespmem:$0xC080] =	vst v63  }
0x68: {  	_ =	swait.ge [sflag:s7], $0xC000  }
0x69: {  	[sflag:s7] =	ssyncset.done $0x0  }
0x6a: {  	s6 =	sadd.s32 $0xFFFFFFFF, s6;
	[sflag:s7] =	ssyncadd.s32 $0xFFFF4000  }
0x6b: {  	_ =	sfence.sel $0x180000  }
0x6c: {  	[bflag:$0x0] =	sbarrier.arrive $0xFFFF  }
0x6d: {  	_ =	strace $0x9000004A  }
0x6e: {  	s0 =	stileid.u32;
	[bflag:$0x2] =	sbarrier.arrive $0xFFFF  }
0x6f: {  	p0 =	sne.s32 s0, $0x0;
	s0 =	rddreg [dreg:$0x2]  }
0x70: {  	s0 =	sadd.s32 @!p0 $0x100000, s0  }
0x71: {  	[sflag:s0] =	ssyncadd.tile.s32 @!p0 $0x1;
	_ =	shalt  }
.Lfunc_end2:
_tile_overlayer_lowered:
.L_overlay_start_2:
0x72: {  	(tag) =	ssettag $0x2  }
0x73: {  	s0 =	rddreg [dreg:$0x0];
	s2 =	stileid.u32  }
0x74: {  	s1 =	rddreg [dreg:$0x1];
	p0 =	sne.s32 s2, $0x0  }
0x75: {  	s3 =	rddreg [dreg:$0x2];
	[bflag:$0x3] =	sbarrier.arrive $0xFFFF;
	s2 =	simm.s32 @!p0 $0x1C02  }
0x76: {  	[timem:s3], [sflag:s2] =	dma.local @!p0 [hbm:s0], s1  }
0x77: {  	s0 =	simm.s32 @!p0 $0x2  }
0x78: {  	_ =	swait.ge @!p0 [sflag:s0], s1  }
0x79: {  	s1 =	ssub.s32 @!p0 $0x0, s1;
	[sflag:s0] =	ssyncset.done @!p0 $0x0  }
0x7a: {  	[sflag:s0] =	ssyncadd.s32 @!p0 s1  }
0x7b: {  	[bflag:$0x3] =	sbarrier.arrive $0xFFFF  }
0x7c: {  	_ =	shalt  }

</sc_bundles>
